<compile_context>
chip_gen: v7x
topology: tpu7x:2x2x1
jax: 0.10.2.dev20260603
libtpu: 0.0.44.dev20260713+nightly
codegen_flags: <defaults>
</compile_context>

<pallas_src>
import functools

import jax
import jax.numpy as jnp
from jax import lax
from jax.experimental import pallas as pl
from jax.experimental.pallas import tpu as pltpu
from jax.experimental.pallas import tpu_sc as plsc


def _make_topk(B, M, N, TM, nsample, r2):
    r2 = float(r2)

    def kern(c_ref, n_ref, idx_ref):
        b = pl.program_id(0)
        c = c_ref[0]
        n = n_ref[0]
        cn = jnp.sum(c * c, axis=1, keepdims=True)
        nn = jnp.sum(n * n, axis=1)[None, :]
        cross = lax.dot_general(c, n, (((1,), (1,)), ((), ())),
                                preferred_element_type=jnp.float32)
        d2 = cn + nn - 2.0 * cross
        iotaf = lax.broadcasted_iota(
            jnp.int32, (TM, N), 1).astype(jnp.float32)
        big = jnp.float32(3e38)
        cols = []
        a0 = None
        for s in range(nsample):
            v = jnp.min(d2, axis=1, keepdims=True)
            m = d2 <= v
            amin = jnp.min(jnp.where(m, iotaf, big), axis=1)
            if s == 0:
                a0 = amin
                chosen = amin
            else:
                chosen = jnp.where(v[:, 0] <= r2, amin, a0)
            cols.append(chosen[:, None])
            d2 = jnp.where(iotaf == amin[:, None], big, d2)
        idx = jnp.concatenate(cols, axis=1).astype(jnp.int32)
        idx_ref[0] = idx + b * N

    return pl.pallas_call(
        kern,
        grid=(B, M // TM),
        in_specs=[pl.BlockSpec((1, TM, 3), lambda b, t: (b, t, 0)),
                  pl.BlockSpec((1, N, 3), lambda b, t: (b, 0, 0))],
        out_specs=pl.BlockSpec((1, TM, nsample), lambda b, t: (b, t, 0)),
        out_shape=jax.ShapeDtypeStruct((B, M, nsample), jnp.int32),
        compiler_params=pltpu.CompilerParams(
            dimension_semantics=("parallel", "parallel")),
    )


def _sc_gather(table, idx, D):
    total = idx.shape[0]
    info = plsc.get_sparse_core_info()
    nw = info.num_cores * info.num_subcores
    per_w = total // nw
    mesh = plsc.VectorSubcoreMesh(core_axis_name="c", subcore_axis_name="s")

    @functools.partial(
        pl.kernel, mesh=mesh,
        compiler_params=pltpu.CompilerParams(use_tc_tiling_on_sc=False),
        out_type=jax.ShapeDtypeStruct((total, D), jnp.float32),
        scratch_types=[pltpu.VMEM((per_w,), jnp.int32),
                       pltpu.VMEM((per_w, D), jnp.float32),
                       pltpu.SemaphoreType.DMA],
    )
    def k(table_hbm, idx_hbm, out_hbm, idx_v, rows_v, sem):
        wid = lax.axis_index("s") * info.num_cores + lax.axis_index("c")
        base = wid * per_w
        pltpu.sync_copy(idx_hbm.at[pl.ds(base, per_w)], idx_v)
        pltpu.async_copy(table_hbm.at[idx_v], rows_v, sem).wait()
        pltpu.sync_copy(rows_v, out_hbm.at[pl.ds(base, per_w)])

    return k(table, idx)


def _make_mlp(R, TM, D, F, H0, H1, S, DOUT=None):
    def kern(g_ref, c_ref, w0_ref, b0_ref, w1_ref, b1_ref, o_ref):
        g = g_ref[...]
        c = c_ref[...]
        crep = jnp.reshape(jnp.broadcast_to(c[:, None, :], (TM, S, 3)),
                           (TM * S, 3))
        x = jnp.concatenate([g[:, :3] - crep, g[:, 3:3 + F]], axis=1)
        h = jnp.dot(x, w0_ref[...], preferred_element_type=jnp.float32)
        h = jnp.maximum(h + b0_ref[...], 0.0)
        h = jnp.dot(h, w1_ref[...], preferred_element_type=jnp.float32)
        h = jnp.maximum(h + b1_ref[...], 0.0)
        acc = jnp.max(jnp.reshape(h, (TM, S, H1)), axis=1)
        if DOUT is None:
            o_ref[...] = acc
        else:
            pad = jnp.zeros((TM, DOUT - 3 - H1), jnp.float32)
            o_ref[...] = jnp.concatenate([c, acc, pad], axis=1)

    wout = H1 if DOUT is None else DOUT
    return pl.pallas_call(
        kern,
        grid=(R // TM,),
        in_specs=[pl.BlockSpec((TM * S, D), lambda t: (t, 0)),
                  pl.BlockSpec((TM, 3), lambda t: (t, 0)),
                  pl.BlockSpec((3 + F, H0), lambda t: (0, 0)),
                  pl.BlockSpec((1, H0), lambda t: (0, 0)),
                  pl.BlockSpec((H0, H1), lambda t: (0, 0)),
                  pl.BlockSpec((1, H1), lambda t: (0, 0))],
        out_specs=pl.BlockSpec((TM, wout), lambda t: (t, 0)),
        out_shape=jax.ShapeDtypeStruct((R, wout), jnp.float32),
        compiler_params=pltpu.CompilerParams(
            dimension_semantics=("parallel",)),
    )


def _make_mlp_vote(R, TM, D, F, H0, H1, S, DOUT):
    def kern(g_ref, c_ref, w0_ref, b0_ref, w1_ref, b1_ref,
             vw0_ref, vb0_ref, vwr_ref, vbr_ref,
             o_ref, off_ref, v_ref):
        g = g_ref[...]
        c = c_ref[...]
        crep = jnp.reshape(jnp.broadcast_to(c[:, None, :], (TM, S, 3)),
                           (TM * S, 3))
        x = jnp.concatenate([g[:, :3] - crep, g[:, 3:3 + F]], axis=1)
        h = jnp.dot(x, w0_ref[...], preferred_element_type=jnp.float32)
        h = jnp.maximum(h + b0_ref[...], 0.0)
        h = jnp.dot(h, w1_ref[...], preferred_element_type=jnp.float32)
        h = jnp.maximum(h + b1_ref[...], 0.0)
        acc = jnp.max(jnp.reshape(h, (TM, S, H1)), axis=1)
        pad = jnp.zeros((TM, DOUT - 3 - H1), jnp.float32)
        o_ref[...] = jnp.concatenate([c, acc, pad], axis=1)
        nf = jnp.dot(acc, vw0_ref[...], preferred_element_type=jnp.float32)
        nf = jnp.maximum(nf + vb0_ref[...], 0.0)
        off = jnp.dot(nf, vwr_ref[...], preferred_element_type=jnp.float32)
        off = off + vbr_ref[...]
        col = lax.broadcasted_iota(jnp.int32, (TM, 3), 1)
        mtr = jnp.where(col < 2, jnp.float32(3.0), jnp.float32(2.0))
        off_ref[...] = off
        v_ref[...] = c + jnp.clip(off, -mtr, mtr)

    return pl.pallas_call(
        kern,
        grid=(R // TM,),
        in_specs=[pl.BlockSpec((TM * S, D), lambda t: (t, 0)),
                  pl.BlockSpec((TM, 3), lambda t: (t, 0)),
                  pl.BlockSpec((3 + F, H0), lambda t: (0, 0)),
                  pl.BlockSpec((1, H0), lambda t: (0, 0)),
                  pl.BlockSpec((H0, H1), lambda t: (0, 0)),
                  pl.BlockSpec((1, H1), lambda t: (0, 0)),
                  pl.BlockSpec((H1, H1), lambda t: (0, 0)),
                  pl.BlockSpec((1, H1), lambda t: (0, 0)),
                  pl.BlockSpec((H1, 3), lambda t: (0, 0)),
                  pl.BlockSpec((1, 3), lambda t: (0, 0))],
        out_specs=[pl.BlockSpec((TM, DOUT), lambda t: (t, 0)),
                   pl.BlockSpec((TM, 3), lambda t: (t, 0)),
                   pl.BlockSpec((TM, 3), lambda t: (t, 0))],
        out_shape=[jax.ShapeDtypeStruct((R, DOUT), jnp.float32),
                   jax.ShapeDtypeStruct((R, 3), jnp.float32),
                   jax.ShapeDtypeStruct((R, 3), jnp.float32)],
        compiler_params=pltpu.CompilerParams(
            dimension_semantics=("parallel",)),
    )


def kernel(points, batch_size, sa0_w0, sa0_b0, sa0_w1, sa0_b1,
           sa1_w0, sa1_b0, sa1_w1, sa1_b1,
           vote_w0, vote_b0, vote_reg_w, vote_reg_b,
           sa3_w0, sa3_b0, sa3_w1, sa3_b1):
    B = 4
    N = points.shape[0] // B
    xyz = points[:, 1:4].reshape(B, N, 3)

    c0 = xyz[:, :1024]
    table0 = jnp.pad(points[:, 1:5], ((0, 0), (0, 12)))
    idx0 = _make_topk(B, 1024, N, 256, 16, 0.8 * 0.8)(c0, xyz)
    g0 = _sc_gather(table0, idx0.reshape(-1), 16)
    table1 = _make_mlp(B * 1024, 1024, 16, 1, 16, 32, 16, DOUT=48)(
        g0, c0.reshape(-1, 3),
        sa0_w0, sa0_b0.reshape(1, -1), sa0_w1, sa0_b1.reshape(1, -1))

    c1 = c0[:, :256]
    idx1 = _make_topk(B, 256, 1024, 256, 16, 1.6 * 1.6)(c1, c0)
    g1 = _sc_gather(table1, idx1.reshape(-1), 48)
    table3, ctr_off, vote_xyz = _make_mlp_vote(
        B * 256, 512, 48, 32, 64, 128, 16, DOUT=144)(
        g1, c1.reshape(-1, 3),
        sa1_w0, sa1_b0.reshape(1, -1), sa1_w1, sa1_b1.reshape(1, -1),
        vote_w0, vote_b0.reshape(1, -1), vote_reg_w, vote_reg_b.reshape(1, -1))

    idx3 = _make_topk(B, 256, 256, 256, 16, 4.8 * 4.8)(
        vote_xyz.reshape(B, 256, 3), c1)
    g3 = _sc_gather(table3, idx3.reshape(-1), 144)
    f3 = _make_mlp(B * 256, 512, 144, 128, 256, 256, 16)(
        g3, vote_xyz,
        sa3_w0, sa3_b0.reshape(1, -1), sa3_w1, sa3_b1.reshape(1, -1))

    bz = (jnp.asarray(batch_size, jnp.int32) - jnp.int32(B)).astype(jnp.float32)
    ctr_batch = points[:, 0].reshape(B, N)[:, :256].reshape(-1) + bz
    centers = jnp.concatenate([ctr_batch[:, None], vote_xyz], axis=1)
    centers_origin = jnp.concatenate([ctr_batch[:, None], c1.reshape(-1, 3)],
                                     axis=1)
    ctr_offsets = jnp.concatenate([ctr_batch[:, None], ctr_off], axis=1)
    return f3, centers, centers_origin, ctr_offsets

# --- scband reference (transcript-rebuilt; emitter-appended) ---
"""Pipeline reference for scband-iassd-backbone-8091718385974 (READ-ONLY COPY).

The authoritative reference and input builder live on the scoring server;
editing this copy changes nothing except your own understanding.
"""

import jax, jax.numpy as jnp
import numpy as np


def _mlp(x, params):
    for W, b in params:
        x = jax.nn.relu(x @ W + b)
    return x


def _pdist2(a, b):
    return (jnp.sum(a * a, -1)[:, :, None] + jnp.sum(b * b, -1)[:, None, :]
            - 2.0 * jnp.einsum('bmd,bnd->bmn', a, b))


def _sa_layer(xyz, feats, new_xyz, radius, nsample, params):
    # ball-query grouping: take nsample nearest, duplicate nearest for points outside radius
    d2 = _pdist2(new_xyz, xyz)
    neg_vals, idx = jax.lax.top_k(-d2, nsample)
    within = (-neg_vals) <= radius * radius
    idx = jnp.where(within, idx, idx[:, :, :1])
    grouped_xyz = jnp.take_along_axis(xyz[:, None, :, :], idx[..., None], axis=2)
    rel = grouped_xyz - new_xyz[:, :, None, :]
    grouped_feats = jnp.take_along_axis(feats[:, None, :, :], idx[..., None], axis=2)
    g = jnp.concatenate([rel, grouped_feats], axis=-1)
    g = _mlp(g, params)
    return jnp.max(g, axis=2)


def setup_inputs(seed: int = 0):
    key = jax.random.key(seed)
    B, N = 4, 4096
    ks = jax.random.split(key, 16)
    xyz = jnp.concatenate([
        jax.random.uniform(ks[0], (B * N, 1), dtype=jnp.float32) * 20.0,
        jax.random.uniform(ks[1], (B * N, 1), dtype=jnp.float32) * 20.0,
        jax.random.uniform(ks[2], (B * N, 1), dtype=jnp.float32) * 4.0 - 2.0], axis=1)
    inten = jax.random.uniform(ks[3], (B * N, 1), dtype=jnp.float32)
    batch_col = jnp.repeat(jnp.arange(B).astype(jnp.float32), N)[:, None]
    points = jnp.concatenate([batch_col, xyz, inten], axis=1)

    def w(k, i, o):
        return jax.random.normal(k, (i, o), dtype=jnp.float32) * (1.0 / np.sqrt(i))

    return {
        'points': points,
        'batch_size': B,
        'sa0_w0': w(ks[4], 4, 16), 'sa0_b0': jnp.zeros((16,), jnp.float32),
        'sa0_w1': w(ks[5], 16, 32), 'sa0_b1': jnp.zeros((32,), jnp.float32),
        'sa1_w0': w(ks[6], 35, 64), 'sa1_b0': jnp.zeros((64,), jnp.float32),
        'sa1_w1': w(ks[7], 64, 128), 'sa1_b1': jnp.zeros((128,), jnp.float32),
        'vote_w0': w(ks[8], 128, 128), 'vote_b0': jnp.zeros((128,), jnp.float32),
        'vote_reg_w': w(ks[9], 128, 3), 'vote_reg_b': jnp.zeros((3,), jnp.float32),
        'sa3_w0': w(ks[10], 131, 256), 'sa3_b0': jnp.zeros((256,), jnp.float32),
        'sa3_w1': w(ks[11], 256, 256), 'sa3_b1': jnp.zeros((256,), jnp.float32),
    }


def reference(points, batch_size, sa0_w0, sa0_b0, sa0_w1, sa0_b1,
              sa1_w0, sa1_b0, sa1_w1, sa1_b1,
              vote_w0, vote_b0, vote_reg_w, vote_reg_b,
              sa3_w0, sa3_b0, sa3_w1, sa3_b1):
    B = 4
    bz_residual = (jnp.asarray(batch_size, jnp.int32) - jnp.int32(B)).astype(jnp.float32)
    N = points.shape[0] // B
    batch_col = points[:, 0]
    xyz = points[:, 1:4].reshape(B, N, 3)
    feats = points[:, 4:].reshape(B, N, 1)
    # SA layer 0: 4096 -> 1024 (random sampling == take-first on iid random points)
    new_xyz0 = xyz[:, :1024]
    f0 = _sa_layer(xyz, feats, new_xyz0, 0.8, 16, [(sa0_w0, sa0_b0), (sa0_w1, sa0_b1)])
    # SA layer 1: 1024 -> 256
    new_xyz1 = new_xyz0[:, :256]
    f1 = _sa_layer(new_xyz0, f0, new_xyz1, 1.6, 16, [(sa1_w0, sa1_b0), (sa1_w1, sa1_b1)])
    # Vote layer
    nf = jax.nn.relu(f1 @ vote_w0 + vote_b0)
    ctr_off = nf @ vote_reg_w + vote_reg_b
    mtr = jnp.array([3.0, 3.0, 2.0], dtype=jnp.float32)
    vote_xyz = new_xyz1 + jnp.clip(ctr_off, -mtr, mtr)
    # SA layer 3: group around vote centers (ctr_xyz path)
    f3 = _sa_layer(new_xyz1, f1, vote_xyz, 4.8, 16, [(sa3_w0, sa3_b0), (sa3_w1, sa3_b1)])
    ctr_batch_idx = batch_col.reshape(B, N)[:, :256].reshape(-1) + bz_residual
    centers = jnp.concatenate([ctr_batch_idx[:, None], vote_xyz.reshape(-1, 3)], axis=1)
    centers_origin = jnp.concatenate([ctr_batch_idx[:, None], new_xyz1.reshape(-1, 3)], axis=1)
    ctr_offsets = jnp.concatenate([ctr_batch_idx[:, None], ctr_off.reshape(-1, 3)], axis=1)
    centers_features = f3.reshape(-1, 256)
    return centers_features, centers, centers_origin, ctr_offsets

if __name__ == "__main__":
    import jax
    _d = setup_inputs()
    print(jax.jit(kernel)(*tuple(_d.values())))

</pallas_src>

<mosaic_0001>
#map = affine_map<(d0, d1) -> (0, 0)>
#map1 = affine_map<(d0, d1) -> (0)>
module attributes {stable_mosaic.version = 14 : i64} {
  func.func @k(%arg0: i32, %arg1: i32, %arg2: memref<16384x16xf32, #tpu.memory_space<hbm>>, %arg3: memref<65536xi32, #tpu.memory_space<hbm>>, %arg4: memref<65536x16xf32, #tpu.memory_space<hbm>>, %arg5: memref<2048xi32, #tpu.memory_space<vmem>>, %arg6: memref<2048x16xf32, #tpu.memory_space<vmem>>, %arg7: memref<!tpu.dma_semaphore, #tpu.memory_space<semaphore_mem>>) attributes {dimension_semantics = [#tpu.dimension_semantics<core_parallel>, #tpu.dimension_semantics<subcore_parallel>], iteration_bounds = array<i64: 2, 16>, scalar_prefetch = 0 : i64, scratch_operands = 3 : i64, tpu.core_type = #tpu.core_type<sc_vector_subcore>, window_params = [{transform_indices = #map}, {transform_indices = #map1}, {transform_indices = #map}]} {
    %mul3A = arith.constant 2 : i32
    %mul3A_0 = arith.muli %arg1, %mul3A : i32
    %add3A = arith.addi %mul3A_0, %arg0 : i32
    %mul3A_1 = arith.constant 2048 : i32
    %mul3A_2 = arith.muli %add3A, %mul3A_1 : i32
    "tpu.region"() ({
      %run_scoped3A = tpu.sem_alloc : memref<!tpu.dma_semaphore, #tpu.memory_space<semaphore_mem>>
      %dma_start3A_7 = tpu.memref_slice %arg3[%mul3A_2] : memref<65536xi32, #tpu.memory_space<hbm>> -> memref<2048xi32, #tpu.memory_space<hbm>>
      %dma_start3A_8 = tpu.memref_slice %arg3[%mul3A_2] : memref<65536xi32, #tpu.memory_space<hbm>> -> memref<2048xi32, #tpu.memory_space<hbm>>
      tpu.enqueue_dma source(%dma_start3A_8 : memref<2048xi32, #tpu.memory_space<hbm>>) target(%arg5 : memref<2048xi32, #tpu.memory_space<vmem>>) target_semaphore(%run_scoped3A : memref<!tpu.dma_semaphore, #tpu.memory_space<semaphore_mem>>)
      %dma_wait3A_9 = tpu.memref_slice %arg3[%mul3A_2] : memref<65536xi32, #tpu.memory_space<hbm>> -> memref<2048xi32, #tpu.memory_space<hbm>>
      %dma_wait3A_10 = tpu.memref_slice %arg3[%mul3A_2] : memref<65536xi32, #tpu.memory_space<hbm>> -> memref<2048xi32, #tpu.memory_space<hbm>>
      tpu.wait_dma2 semaphore(%run_scoped3A : memref<!tpu.dma_semaphore, #tpu.memory_space<semaphore_mem>>) src(%dma_wait3A_10 : memref<2048xi32, #tpu.memory_space<hbm>>) dst(%arg5 : memref<2048xi32, #tpu.memory_space<vmem>>)
      tpu.yield
    }) : () -> ()
    %dma_start3A = arith.constant 0 : i32
    %dma_start3A_3 = arith.constant 0 : i32
    %dma_start3A_4 = tpu.memref_slice %arg2[%dma_start3A, %dma_start3A_3] : memref<16384x16xf32, #tpu.memory_space<hbm>> -> memref<16384x16xf32, #tpu.memory_space<hbm>>
    tpu.enqueue_indirect_dma source(%dma_start3A_4 : memref<16384x16xf32, #tpu.memory_space<hbm>>) target(%arg6 : memref<2048x16xf32, #tpu.memory_space<vmem>>) offsets(%arg5 : memref<2048xi32, #tpu.memory_space<vmem>>) semaphore(%arg7 : memref<!tpu.dma_semaphore, #tpu.memory_space<semaphore_mem>>)
    %dma_wait3A = arith.constant 0 : i32
    %dma_wait3A_5 = arith.constant 0 : i32
    %dma_wait3A_6 = tpu.memref_slice %arg2[%dma_wait3A, %dma_wait3A_5] : memref<16384x16xf32, #tpu.memory_space<hbm>> -> memref<16384x16xf32, #tpu.memory_space<hbm>>
    tpu.wait_indirect_dma semaphore(%arg7 : memref<!tpu.dma_semaphore, #tpu.memory_space<semaphore_mem>>) src(%dma_wait3A_6 : memref<16384x16xf32, #tpu.memory_space<hbm>>) dst(%arg6 : memref<2048x16xf32, #tpu.memory_space<vmem>>)
    "tpu.region"() ({
      %run_scoped3A = tpu.sem_alloc : memref<!tpu.dma_semaphore, #tpu.memory_space<semaphore_mem>>
      %dma_start3A_7 = arith.constant 0 : i32
      %dma_start3A_8 = tpu.memref_slice %arg4[%mul3A_2, %dma_start3A_7] : memref<65536x16xf32, #tpu.memory_space<hbm>> -> memref<2048x16xf32, #tpu.memory_space<hbm>>
      %dma_start3A_9 = arith.constant 0 : i32
      %dma_start3A_10 = tpu.memref_slice %arg4[%mul3A_2, %dma_start3A_9] : memref<65536x16xf32, #tpu.memory_space<hbm>> -> memref<2048x16xf32, #tpu.memory_space<hbm>>
      tpu.enqueue_dma source(%arg6 : memref<2048x16xf32, #tpu.memory_space<vmem>>) target(%dma_start3A_10 : memref<2048x16xf32, #tpu.memory_space<hbm>>) target_semaphore(%run_scoped3A : memref<!tpu.dma_semaphore, #tpu.memory_space<semaphore_mem>>)
      %dma_wait3A_11 = arith.constant 0 : i32
      %dma_wait3A_12 = tpu.memref_slice %arg4[%mul3A_2, %dma_wait3A_11] : memref<65536x16xf32, #tpu.memory_space<hbm>> -> memref<2048x16xf32, #tpu.memory_space<hbm>>
      %dma_wait3A_13 = arith.constant 0 : i32
      %dma_wait3A_14 = tpu.memref_slice %arg4[%mul3A_2, %dma_wait3A_13] : memref<65536x16xf32, #tpu.memory_space<hbm>> -> memref<2048x16xf32, #tpu.memory_space<hbm>>
      tpu.wait_dma2 semaphore(%run_scoped3A : memref<!tpu.dma_semaphore, #tpu.memory_space<semaphore_mem>>) src(%arg6 : memref<2048x16xf32, #tpu.memory_space<vmem>>) dst(%dma_wait3A_14 : memref<2048x16xf32, #tpu.memory_space<hbm>>)
      tpu.yield
    }) : () -> ()
    return
  }
}

#map = affine_map<(d0, d1) -> (0, 0)>
#map1 = affine_map<(d0, d1) -> (0)>
module attributes {stable_mosaic.version = 14 : i64} {
  func.func @k(%arg0: i32, %arg1: i32, %arg2: memref<1024x144xf32, #tpu.memory_space<hbm>>, %arg3: memref<16384xi32, #tpu.memory_space<hbm>>, %arg4: memref<16384x144xf32, #tpu.memory_space<hbm>>, %arg5: memref<512xi32, #tpu.memory_space<vmem>>, %arg6: memref<512x144xf32, #tpu.memory_space<vmem>>, %arg7: memref<!tpu.dma_semaphore, #tpu.memory_space<semaphore_mem>>) attributes {dimension_semantics = [#tpu.dimension_semantics<core_parallel>, #tpu.dimension_semantics<subcore_parallel>], iteration_bounds = array<i64: 2, 16>, scalar_prefetch = 0 : i64, scratch_operands = 3 : i64, tpu.core_type = #tpu.core_type<sc_vector_subcore>, window_params = [{transform_indices = #map}, {transform_indices = #map1}, {transform_indices = #map}]} {
    %mul3A = arith.constant 2 : i32
    %mul3A_0 = arith.muli %arg1, %mul3A : i32
    %add3A = arith.addi %mul3A_0, %arg0 : i32
    %mul3A_1 = arith.constant 512 : i32
    %mul3A_2 = arith.muli %add3A, %mul3A_1 : i32
    "tpu.region"() ({
      %run_scoped3A = tpu.sem_alloc : memref<!tpu.dma_semaphore, #tpu.memory_space<semaphore_mem>>
      %dma_start3A_7 = tpu.memref_slice %arg3[%mul3A_2] : memref<16384xi32, #tpu.memory_space<hbm>> -> memref<512xi32, #tpu.memory_space<hbm>>
      %dma_start3A_8 = tpu.memref_slice %arg3[%mul3A_2] : memref<16384xi32, #tpu.memory_space<hbm>> -> memref<512xi32, #tpu.memory_space<hbm>>
      tpu.enqueue_dma source(%dma_start3A_8 : memref<512xi32, #tpu.memory_space<hbm>>) target(%arg5 : memref<512xi32, #tpu.memory_space<vmem>>) target_semaphore(%run_scoped3A : memref<!tpu.dma_semaphore, #tpu.memory_space<semaphore_mem>>)
      %dma_wait3A_9 = tpu.memref_slice %arg3[%mul3A_2] : memref<16384xi32, #tpu.memory_space<hbm>> -> memref<512xi32, #tpu.memory_space<hbm>>
      %dma_wait3A_10 = tpu.memref_slice %arg3[%mul3A_2] : memref<16384xi32, #tpu.memory_space<hbm>> -> memref<512xi32, #tpu.memory_space<hbm>>
      tpu.wait_dma2 semaphore(%run_scoped3A : memref<!tpu.dma_semaphore, #tpu.memory_space<semaphore_mem>>) src(%dma_wait3A_10 : memref<512xi32, #tpu.memory_space<hbm>>) dst(%arg5 : memref<512xi32, #tpu.memory_space<vmem>>)
      tpu.yield
    }) : () -> ()
    %dma_start3A = arith.constant 0 : i32
    %dma_start3A_3 = arith.constant 0 : i32
    %dma_start3A_4 = tpu.memref_slice %arg2[%dma_start3A, %dma_start3A_3] : memref<1024x144xf32, #tpu.memory_space<hbm>> -> memref<1024x144xf32, #tpu.memory_space<hbm>>
    tpu.enqueue_indirect_dma source(%dma_start3A_4 : memref<1024x144xf32, #tpu.memory_space<hbm>>) target(%arg6 : memref<512x144xf32, #tpu.memory_space<vmem>>) offsets(%arg5 : memref<512xi32, #tpu.memory_space<vmem>>) semaphore(%arg7 : memref<!tpu.dma_semaphore, #tpu.memory_space<semaphore_mem>>)
    %dma_wait3A = arith.constant 0 : i32
    %dma_wait3A_5 = arith.constant 0 : i32
    %dma_wait3A_6 = tpu.memref_slice %arg2[%dma_wait3A, %dma_wait3A_5] : memref<1024x144xf32, #tpu.memory_space<hbm>> -> memref<1024x144xf32, #tpu.memory_space<hbm>>
    tpu.wait_indirect_dma semaphore(%arg7 : memref<!tpu.dma_semaphore, #tpu.memory_space<semaphore_mem>>) src(%dma_wait3A_6 : memref<1024x144xf32, #tpu.memory_space<hbm>>) dst(%arg6 : memref<512x144xf32, #tpu.memory_space<vmem>>)
    "tpu.region"() ({
      %run_scoped3A = tpu.sem_alloc : memref<!tpu.dma_semaphore, #tpu.memory_space<semaphore_mem>>
      %dma_start3A_7 = arith.constant 0 : i32
      %dma_start3A_8 = tpu.memref_slice %arg4[%mul3A_2, %dma_start3A_7] : memref<16384x144xf32, #tpu.memory_space<hbm>> -> memref<512x144xf32, #tpu.memory_space<hbm>>
      %dma_start3A_9 = arith.constant 0 : i32
      %dma_start3A_10 = tpu.memref_slice %arg4[%mul3A_2, %dma_start3A_9] : memref<16384x144xf32, #tpu.memory_space<hbm>> -> memref<512x144xf32, #tpu.memory_space<hbm>>
      tpu.enqueue_dma source(%arg6 : memref<512x144xf32, #tpu.memory_space<vmem>>) target(%dma_start3A_10 : memref<512x144xf32, #tpu.memory_space<hbm>>) target_semaphore(%run_scoped3A : memref<!tpu.dma_semaphore, #tpu.memory_space<semaphore_mem>>)
      %dma_wait3A_11 = arith.constant 0 : i32
      %dma_wait3A_12 = tpu.memref_slice %arg4[%mul3A_2, %dma_wait3A_11] : memref<16384x144xf32, #tpu.memory_space<hbm>> -> memref<512x144xf32, #tpu.memory_space<hbm>>
      %dma_wait3A_13 = arith.constant 0 : i32
      %dma_wait3A_14 = tpu.memref_slice %arg4[%mul3A_2, %dma_wait3A_13] : memref<16384x144xf32, #tpu.memory_space<hbm>> -> memref<512x144xf32, #tpu.memory_space<hbm>>
      tpu.wait_dma2 semaphore(%run_scoped3A : memref<!tpu.dma_semaphore, #tpu.memory_space<semaphore_mem>>) src(%arg6 : memref<512x144xf32, #tpu.memory_space<vmem>>) dst(%dma_wait3A_14 : memref<512x144xf32, #tpu.memory_space<hbm>>)
      tpu.yield
    }) : () -> ()
    return
  }
}

#map = affine_map<(d0, d1) -> (0, 0)>
#map1 = affine_map<(d0, d1) -> (0)>
module attributes {stable_mosaic.version = 14 : i64} {
  func.func @k(%arg0: i32, %arg1: i32, %arg2: memref<4096x48xf32, #tpu.memory_space<hbm>>, %arg3: memref<16384xi32, #tpu.memory_space<hbm>>, %arg4: memref<16384x48xf32, #tpu.memory_space<hbm>>, %arg5: memref<512xi32, #tpu.memory_space<vmem>>, %arg6: memref<512x48xf32, #tpu.memory_space<vmem>>, %arg7: memref<!tpu.dma_semaphore, #tpu.memory_space<semaphore_mem>>) attributes {dimension_semantics = [#tpu.dimension_semantics<core_parallel>, #tpu.dimension_semantics<subcore_parallel>], iteration_bounds = array<i64: 2, 16>, scalar_prefetch = 0 : i64, scratch_operands = 3 : i64, tpu.core_type = #tpu.core_type<sc_vector_subcore>, window_params = [{transform_indices = #map}, {transform_indices = #map1}, {transform_indices = #map}]} {
    %mul3A = arith.constant 2 : i32
    %mul3A_0 = arith.muli %arg1, %mul3A : i32
    %add3A = arith.addi %mul3A_0, %arg0 : i32
    %mul3A_1 = arith.constant 512 : i32
    %mul3A_2 = arith.muli %add3A, %mul3A_1 : i32
    "tpu.region"() ({
      %run_scoped3A = tpu.sem_alloc : memref<!tpu.dma_semaphore, #tpu.memory_space<semaphore_mem>>
      %dma_start3A_7 = tpu.memref_slice %arg3[%mul3A_2] : memref<16384xi32, #tpu.memory_space<hbm>> -> memref<512xi32, #tpu.memory_space<hbm>>
      %dma_start3A_8 = tpu.memref_slice %arg3[%mul3A_2] : memref<16384xi32, #tpu.memory_space<hbm>> -> memref<512xi32, #tpu.memory_space<hbm>>
      tpu.enqueue_dma source(%dma_start3A_8 : memref<512xi32, #tpu.memory_space<hbm>>) target(%arg5 : memref<512xi32, #tpu.memory_space<vmem>>) target_semaphore(%run_scoped3A : memref<!tpu.dma_semaphore, #tpu.memory_space<semaphore_mem>>)
      %dma_wait3A_9 = tpu.memref_slice %arg3[%mul3A_2] : memref<16384xi32, #tpu.memory_space<hbm>> -> memref<512xi32, #tpu.memory_space<hbm>>
      %dma_wait3A_10 = tpu.memref_slice %arg3[%mul3A_2] : memref<16384xi32, #tpu.memory_space<hbm>> -> memref<512xi32, #tpu.memory_space<hbm>>
      tpu.wait_dma2 semaphore(%run_scoped3A : memref<!tpu.dma_semaphore, #tpu.memory_space<semaphore_mem>>) src(%dma_wait3A_10 : memref<512xi32, #tpu.memory_space<hbm>>) dst(%arg5 : memref<512xi32, #tpu.memory_space<vmem>>)
      tpu.yield
    }) : () -> ()
    %dma_start3A = arith.constant 0 : i32
    %dma_start3A_3 = arith.constant 0 : i32
    %dma_start3A_4 = tpu.memref_slice %arg2[%dma_start3A, %dma_start3A_3] : memref<4096x48xf32, #tpu.memory_space<hbm>> -> memref<4096x48xf32, #tpu.memory_space<hbm>>
    tpu.enqueue_indirect_dma source(%dma_start3A_4 : memref<4096x48xf32, #tpu.memory_space<hbm>>) target(%arg6 : memref<512x48xf32, #tpu.memory_space<vmem>>) offsets(%arg5 : memref<512xi32, #tpu.memory_space<vmem>>) semaphore(%arg7 : memref<!tpu.dma_semaphore, #tpu.memory_space<semaphore_mem>>)
    %dma_wait3A = arith.constant 0 : i32
    %dma_wait3A_5 = arith.constant 0 : i32
    %dma_wait3A_6 = tpu.memref_slice %arg2[%dma_wait3A, %dma_wait3A_5] : memref<4096x48xf32, #tpu.memory_space<hbm>> -> memref<4096x48xf32, #tpu.memory_space<hbm>>
    tpu.wait_indirect_dma semaphore(%arg7 : memref<!tpu.dma_semaphore, #tpu.memory_space<semaphore_mem>>) src(%dma_wait3A_6 : memref<4096x48xf32, #tpu.memory_space<hbm>>) dst(%arg6 : memref<512x48xf32, #tpu.memory_space<vmem>>)
    "tpu.region"() ({
      %run_scoped3A = tpu.sem_alloc : memref<!tpu.dma_semaphore, #tpu.memory_space<semaphore_mem>>
      %dma_start3A_7 = arith.constant 0 : i32
      %dma_start3A_8 = tpu.memref_slice %arg4[%mul3A_2, %dma_start3A_7] : memref<16384x48xf32, #tpu.memory_space<hbm>> -> memref<512x48xf32, #tpu.memory_space<hbm>>
      %dma_start3A_9 = arith.constant 0 : i32
      %dma_start3A_10 = tpu.memref_slice %arg4[%mul3A_2, %dma_start3A_9] : memref<16384x48xf32, #tpu.memory_space<hbm>> -> memref<512x48xf32, #tpu.memory_space<hbm>>
      tpu.enqueue_dma source(%arg6 : memref<512x48xf32, #tpu.memory_space<vmem>>) target(%dma_start3A_10 : memref<512x48xf32, #tpu.memory_space<hbm>>) target_semaphore(%run_scoped3A : memref<!tpu.dma_semaphore, #tpu.memory_space<semaphore_mem>>)
      %dma_wait3A_11 = arith.constant 0 : i32
      %dma_wait3A_12 = tpu.memref_slice %arg4[%mul3A_2, %dma_wait3A_11] : memref<16384x48xf32, #tpu.memory_space<hbm>> -> memref<512x48xf32, #tpu.memory_space<hbm>>
      %dma_wait3A_13 = arith.constant 0 : i32
      %dma_wait3A_14 = tpu.memref_slice %arg4[%mul3A_2, %dma_wait3A_13] : memref<16384x48xf32, #tpu.memory_space<hbm>> -> memref<512x48xf32, #tpu.memory_space<hbm>>
      tpu.wait_dma2 semaphore(%run_scoped3A : memref<!tpu.dma_semaphore, #tpu.memory_space<semaphore_mem>>) src(%arg6 : memref<512x48xf32, #tpu.memory_space<vmem>>) dst(%dma_wait3A_14 : memref<512x48xf32, #tpu.memory_space<hbm>>)
      tpu.yield
    }) : () -> ()
    return
  }
}

module attributes {stable_mosaic.version = 14 : i64} {
  func.func @kern(%arg0: i32, %arg1: i32, %arg2: memref<1x256x3xf32, #tpu.memory_space<vmem>>, %arg3: memref<1x4096x3xf32, #tpu.memory_space<vmem>>, %arg4: memref<1x256x16xi32, #tpu.memory_space<vmem>>) attributes {dimension_semantics = [#tpu.dimension_semantics<parallel>, #tpu.dimension_semantics<parallel>], iteration_bounds = array<i64: 4, 4>, scalar_prefetch = 0 : i64, scratch_operands = 0 : i64, tpu.core_type = #tpu.core_type<tc>, window_params = [{transform_indices = @transform_0, window_bounds = array<i64: 1, 256, 3>}, {transform_indices = @transform_1, window_bounds = array<i64: 1, 4096, 3>}, {transform_indices = @transform_2, window_bounds = array<i64: 1, 256, 16>}]} {
    %get3A = arith.constant 0 : index
    %get3A_0 = arith.constant 0 : index
    %get3A_1 = arith.constant 0 : index
    %get3A_2 = vector.load %arg2[%get3A, %get3A_0, %get3A_1] : memref<1x256x3xf32, #tpu.memory_space<vmem>>, vector<1x256x3xf32>
    %get3A_3 = vector.shape_cast %get3A_2 : vector<1x256x3xf32> to vector<256x3xf32>
    %get3A_4 = arith.constant 0 : index
    %get3A_5 = arith.constant 0 : index
    %get3A_6 = arith.constant 0 : index
    %get3A_7 = vector.load %arg3[%get3A_4, %get3A_5, %get3A_6] : memref<1x4096x3xf32, #tpu.memory_space<vmem>>, vector<1x4096x3xf32>
    %get3A_8 = vector.shape_cast %get3A_7 : vector<1x4096x3xf32> to vector<4096x3xf32>
    %mul3A = arith.mulf %get3A_3, %get3A_3 : vector<256x3xf32>
    %reduce_sum3A = arith.constant dense<0.000000e+00> : vector<256xf32>
    %reduce_sum3A_9 = vector.multi_reduction <add>, %mul3A, %reduce_sum3A [1] : vector<256x3xf32> to vector<256xf32>
    %broadcast_in_dim3A = vector.shape_cast %reduce_sum3A_9 : vector<256xf32> to vector<256x1xf32>
    %mul3A_10 = arith.mulf %get3A_8, %get3A_8 : vector<4096x3xf32>
    %reduce_sum3A_11 = arith.constant dense<0.000000e+00> : vector<4096xf32>
    %reduce_sum3A_12 = vector.multi_reduction <add>, %mul3A_10, %reduce_sum3A_11 [1] : vector<4096x3xf32> to vector<4096xf32>
    %broadcast_in_dim3A_13 = vector.shape_cast %reduce_sum3A_12 : vector<4096xf32> to vector<1x4096xf32>
    %dot_general3A = arith.constant dense<0.000000e+00> : vector<256x4096xf32>
    %dot_general3A_14 = tpu.matmul %get3A_3, %get3A_8, %dot_general3A {dimension_numbers = #tpu.dot_dimension_numbers<[1], [1], [0], [0], [0, 0, 1, 0], [], []>, transpose_lhs_hint = false} : vector<256x3xf32>, vector<4096x3xf32>, vector<256x4096xf32> -> vector<256x4096xf32>
    %add3A = vector.broadcast %broadcast_in_dim3A : vector<256x1xf32> to vector<256x4096xf32>
    %add3A_15 = vector.broadcast %broadcast_in_dim3A_13 : vector<1x4096xf32> to vector<256x4096xf32>
    %add3A_16 = arith.addf %add3A, %add3A_15 : vector<256x4096xf32>
    %mul3A_17 = arith.constant 2.000000e+00 : f32
    %mul3A_18 = vector.broadcast %mul3A_17 : f32 to vector<256x4096xf32>
    %mul3A_19 = arith.mulf %mul3A_18, %dot_general3A_14 : vector<256x4096xf32>
    %sub3A = arith.subf %add3A_16, %mul3A_19 : vector<256x4096xf32>
    %iota3A = tpu.iota {dimensions = array<i32: 1>} : vector<256x4096xi32>
    %convert_element_type3A = arith.sitofp %iota3A : vector<256x4096xi32> to vector<256x4096xf32>
    %reduce_min3A = arith.constant dense<0x7F800000> : vector<256xf32>
    %reduce_min3A_20 = vector.multi_reduction <minimumf>, %sub3A, %reduce_min3A [1] : vector<256x4096xf32> to vector<256xf32>
    %broadcast_in_dim3A_21 = vector.shape_cast %reduce_min3A_20 : vector<256xf32> to vector<256x1xf32>
    %le3A = vector.broadcast %broadcast_in_dim3A_21 : vector<256x1xf32> to vector<256x4096xf32>
    %le3A_22 = arith.cmpf ole, %sub3A, %le3A : vector<256x4096xf32>
    %jit3A = arith.constant 3.000000e+38 : f32
    %broadcast_in_dim3A_23 = vector.broadcast %jit3A : f32 to vector<256x4096xf32>
    %select_n3A = arith.select %le3A_22, %convert_element_type3A, %broadcast_in_dim3A_23 : vector<256x4096xi1>, vector<256x4096xf32>
    %reduce_min3A_24 = arith.constant dense<0x7F800000> : vector<256xf32>
    %reduce_min3A_25 = vector.multi_reduction <minimumf>, %select_n3A, %reduce_min3A_24 [1] : vector<256x4096xf32> to vector<256xf32>
    %broadcast_in_dim3A_26 = vector.shape_cast %reduce_min3A_25 : vector<256xf32> to vector<256x1xf32>
    %broadcast_in_dim3A_27 = vector.shape_cast %reduce_min3A_25 : vector<256xf32> to vector<256x1xf32>
    %eq3A = vector.broadcast %broadcast_in_dim3A_27 : vector<256x1xf32> to vector<256x4096xf32>
    %eq3A_28 = arith.cmpf oeq, %convert_element_type3A, %eq3A : vector<256x4096xf32>
    %jit3A_29 = arith.constant 3.000000e+38 : f32
    %broadcast_in_dim3A_30 = vector.broadcast %jit3A_29 : f32 to vector<256x4096xf32>
    %select_n3A_31 = arith.select %eq3A_28, %broadcast_in_dim3A_30, %sub3A : vector<256x4096xi1>, vector<256x4096xf32>
    %reduce_min3A_32 = arith.constant dense<0x7F800000> : vector<256xf32>
    %reduce_min3A_33 = vector.multi_reduction <minimumf>, %select_n3A_31, %reduce_min3A_32 [1] : vector<256x4096xf32> to vector<256xf32>
    %broadcast_in_dim3A_34 = vector.shape_cast %reduce_min3A_33 : vector<256xf32> to vector<256x1xf32>
    %le3A_35 = vector.broadcast %broadcast_in_dim3A_34 : vector<256x1xf32> to vector<256x4096xf32>
    %le3A_36 = arith.cmpf ole, %select_n3A_31, %le3A_35 : vector<256x4096xf32>
    %jit3A_37 = arith.constant 3.000000e+38 : f32
    %broadcast_in_dim3A_38 = vector.broadcast %jit3A_37 : f32 to vector<256x4096xf32>
    %select_n3A_39 = arith.select %le3A_36, %convert_element_type3A, %broadcast_in_dim3A_38 : vector<256x4096xi1>, vector<256x4096xf32>
    %reduce_min3A_40 = arith.constant dense<0x7F800000> : vector<256xf32>
    %reduce_min3A_41 = vector.multi_reduction <minimumf>, %select_n3A_39, %reduce_min3A_40 [1] : vector<256x4096xf32> to vector<256xf32>
    %squeeze3A = vector.shape_cast %broadcast_in_dim3A_34 : vector<256x1xf32> to vector<256xf32>
    %le3A_42 = arith.constant 6.400000e-01 : f32
    %le3A_43 = vector.broadcast %le3A_42 : f32 to vector<256xf32>
    %le3A_44 = arith.cmpf ole, %squeeze3A, %le3A_43 : vector<256xf32>
    %select_n3A_45 = arith.select %le3A_44, %reduce_min3A_41, %reduce_min3A_25 : vector<256xi1>, vector<256xf32>
    %broadcast_in_dim3A_46 = vector.shape_cast %select_n3A_45 : vector<256xf32> to vector<256x1xf32>
    %broadcast_in_dim3A_47 = vector.shape_cast %reduce_min3A_41 : vector<256xf32> to vector<256x1xf32>
    %eq3A_48 = vector.broadcast %broadcast_in_dim3A_47 : vector<256x1xf32> to vector<256x4096xf32>
    %eq3A_49 = arith.cmpf oeq, %convert_element_type3A, %eq3A_48 : vector<256x4096xf32>
    %jit3A_50 = arith.constant 3.000000e+38 : f32
    %broadcast_in_dim3A_51 = vector.broadcast %jit3A_50 : f32 to vector<256x4096xf32>
    %select_n3A_52 = arith.select %eq3A_49, %broadcast_in_dim3A_51, %select_n3A_31 : vector<256x4096xi1>, vector<256x4096xf32>
    %reduce_min3A_53 = arith.constant dense<0x7F800000> : vector<256xf32>
    %reduce_min3A_54 = vector.multi_reduction <minimumf>, %select_n3A_52, %reduce_min3A_53 [1] : vector<256x4096xf32> to vector<256xf32>
    %broadcast_in_dim3A_55 = vector.shape_cast %reduce_min3A_54 : vector<256xf32> to vector<256x1xf32>
    %le3A_56 = vector.broadcast %broadcast_in_dim3A_55 : vector<256x1xf32> to vector<256x4096xf32>
    %le3A_57 = arith.cmpf ole, %select_n3A_52, %le3A_56 : vector<256x4096xf32>
    %jit3A_58 = arith.constant 3.000000e+38 : f32
    %broadcast_in_dim3A_59 = vector.broadcast %jit3A_58 : f32 to vector<256x4096xf32>
    %select_n3A_60 = arith.select %le3A_57, %convert_element_type3A, %broadcast_in_dim3A_59 : vector<256x4096xi1>, vector<256x4096xf32>
    %reduce_min3A_61 = arith.constant dense<0x7F800000> : vector<256xf32>
    %reduce_min3A_62 = vector.multi_reduction <minimumf>, %select_n3A_60, %reduce_min3A_61 [1] : vector<256x4096xf32> to vector<256xf32>
    %squeeze3A_63 = vector.shape_cast %broadcast_in_dim3A_55 : vector<256x1xf32> to vector<256xf32>
    %le3A_64 = arith.constant 6.400000e-01 : f32
    %le3A_65 = vector.broadcast %le3A_64 : f32 to vector<256xf32>
    %le3A_66 = arith.cmpf ole, %squeeze3A_63, %le3A_65 : vector<256xf32>
    %select_n3A_67 = arith.select %le3A_66, %reduce_min3A_62, %reduce_min3A_25 : vector<256xi1>, vector<256xf32>
    %broadcast_in_dim3A_68 = vector.shape_cast %select_n3A_67 : vector<256xf32> to vector<256x1xf32>
    %broadcast_in_dim3A_69 = vector.shape_cast %reduce_min3A_62 : vector<256xf32> to vector<256x1xf32>
    %eq3A_70 = vector.broadcast %broadcast_in_dim3A_69 : vector<256x1xf32> to vector<256x4096xf32>
    %eq3A_71 = arith.cmpf oeq, %convert_element_type3A, %eq3A_70 : vector<256x4096xf32>
    %jit3A_72 = arith.constant 3.000000e+38 : f32
    %broadcast_in_dim3A_73 = vector.broadcast %jit3A_72 : f32 to vector<256x4096xf32>
    %select_n3A_74 = arith.select %eq3A_71, %broadcast_in_dim3A_73, %select_n3A_52 : vector<256x4096xi1>, vector<256x4096xf32>
    %reduce_min3A_75 = arith.constant dense<0x7F800000> : vector<256xf32>
    %reduce_min3A_76 = vector.multi_reduction <minimumf>, %select_n3A_74, %reduce_min3A_75 [1] : vector<256x4096xf32> to vector<256xf32>
    %broadcast_in_dim3A_77 = vector.shape_cast %reduce_min3A_76 : vector<256xf32> to vector<256x1xf32>
    %le3A_78 = vector.broadcast %broadcast_in_dim3A_77 : vector<256x1xf32> to vector<256x4096xf32>
    %le3A_79 = arith.cmpf ole, %select_n3A_74, %le3A_78 : vector<256x4096xf32>
    %jit3A_80 = arith.constant 3.000000e+38 : f32
    %broadcast_in_dim3A_81 = vector.broadcast %jit3A_80 : f32 to vector<256x4096xf32>
    %select_n3A_82 = arith.select %le3A_79, %convert_element_type3A, %broadcast_in_dim3A_81 : vector<256x4096xi1>, vector<256x4096xf32>
    %reduce_min3A_83 = arith.constant dense<0x7F800000> : vector<256xf32>
    %reduce_min3A_84 = vector.multi_reduction <minimumf>, %select_n3A_82, %reduce_min3A_83 [1] : vector<256x4096xf32> to vector<256xf32>
    %squeeze3A_85 = vector.shape_cast %broadcast_in_dim3A_77 : vector<256x1xf32> to vector<256xf32>
    %le3A_86 = arith.constant 6.400000e-01 : f32
    %le3A_87 = vector.broadcast %le3A_86 : f32 to vector<256xf32>
    %le3A_88 = arith.cmpf ole, %squeeze3A_85, %le3A_87 : vector<256xf32>
    %select_n3A_89 = arith.select %le3A_88, %reduce_min3A_84, %reduce_min3A_25 : vector<256xi1>, vector<256xf32>
    %broadcast_in_dim3A_90 = vector.shape_cast %select_n3A_89 : vector<256xf32> to vector<256x1xf32>
    %broadcast_in_dim3A_91 = vector.shape_cast %reduce_min3A_84 : vector<256xf32> to vector<256x1xf32>
    %eq3A_92 = vector.broadcast %broadcast_in_dim3A_91 : vector<256x1xf32> to vector<256x4096xf32>
    %eq3A_93 = arith.cmpf oeq, %convert_element_type3A, %eq3A_92 : vector<256x4096xf32>
    %jit3A_94 = arith.constant 3.000000e+38 : f32
    %broadcast_in_dim3A_95 = vector.broadcast %jit3A_94 : f32 to vector<256x4096xf32>
    %select_n3A_96 = arith.select %eq3A_93, %broadcast_in_dim3A_95, %select_n3A_74 : vector<256x4096xi1>, vector<256x4096xf32>
    %reduce_min3A_97 = arith.constant dense<0x7F800000> : vector<256xf32>
    %reduce_min3A_98 = vector.multi_reduction <minimumf>, %select_n3A_96, %reduce_min3A_97 [1] : vector<256x4096xf32> to vector<256xf32>
    %broadcast_in_dim3A_99 = vector.shape_cast %reduce_min3A_98 : vector<256xf32> to vector<256x1xf32>
    %le3A_100 = vector.broadcast %broadcast_in_dim3A_99 : vector<256x1xf32> to vector<256x4096xf32>
    %le3A_101 = arith.cmpf ole, %select_n3A_96, %le3A_100 : vector<256x4096xf32>
    %jit3A_102 = arith.constant 3.000000e+38 : f32
    %broadcast_in_dim3A_103 = vector.broadcast %jit3A_102 : f32 to vector<256x4096xf32>
    %select_n3A_104 = arith.select %le3A_101, %convert_element_type3A, %broadcast_in_dim3A_103 : vector<256x4096xi1>, vector<256x4096xf32>
    %reduce_min3A_105 = arith.constant dense<0x7F800000> : vector<256xf32>
    %reduce_min3A_106 = vector.multi_reduction <minimumf>, %select_n3A_104, %reduce_min3A_105 [1] : vector<256x4096xf32> to vector<256xf32>
    %squeeze3A_107 = vector.shape_cast %broadcast_in_dim3A_99 : vector<256x1xf32> to vector<256xf32>
    %le3A_108 = arith.constant 6.400000e-01 : f32
    %le3A_109 = vector.broadcast %le3A_108 : f32 to vector<256xf32>
    %le3A_110 = arith.cmpf ole, %squeeze3A_107, %le3A_109 : vector<256xf32>
    %select_n3A_111 = arith.select %le3A_110, %reduce_min3A_106, %reduce_min3A_25 : vector<256xi1>, vector<256xf32>
    %broadcast_in_dim3A_112 = vector.shape_cast %select_n3A_111 : vector<256xf32> to vector<256x1xf32>
    %broadcast_in_dim3A_113 = vector.shape_cast %reduce_min3A_106 : vector<256xf32> to vector<256x1xf32>
    %eq3A_114 = vector.broadcast %broadcast_in_dim3A_113 : vector<256x1xf32> to vector<256x4096xf32>
    %eq3A_115 = arith.cmpf oeq, %convert_element_type3A, %eq3A_114 : vector<256x4096xf32>
    %jit3A_116 = arith.constant 3.000000e+38 : f32
    %broadcast_in_dim3A_117 = vector.broadcast %jit3A_116 : f32 to vector<256x4096xf32>
    %select_n3A_118 = arith.select %eq3A_115, %broadcast_in_dim3A_117, %select_n3A_96 : vector<256x4096xi1>, vector<256x4096xf32>
    %reduce_min3A_119 = arith.constant dense<0x7F800000> : vector<256xf32>
    %reduce_min3A_120 = vector.multi_reduction <minimumf>, %select_n3A_118, %reduce_min3A_119 [1] : vector<256x4096xf32> to vector<256xf32>
    %broadcast_in_dim3A_121 = vector.shape_cast %reduce_min3A_120 : vector<256xf32> to vector<256x1xf32>
    %le3A_122 = vector.broadcast %broadcast_in_dim3A_121 : vector<256x1xf32> to vector<256x4096xf32>
    %le3A_123 = arith.cmpf ole, %select_n3A_118, %le3A_122 : vector<256x4096xf32>
    %jit3A_124 = arith.constant 3.000000e+38 : f32
    %broadcast_in_dim3A_125 = vector.broadcast %jit3A_124 : f32 to vector<256x4096xf32>
    %select_n3A_126 = arith.select %le3A_123, %convert_element_type3A, %broadcast_in_dim3A_125 : vector<256x4096xi1>, vector<256x4096xf32>
    %reduce_min3A_127 = arith.constant dense<0x7F800000> : vector<256xf32>
    %reduce_min3A_128 = vector.multi_reduction <minimumf>, %select_n3A_126, %reduce_min3A_127 [1] : vector<256x4096xf32> to vector<256xf32>
    %squeeze3A_129 = vector.shape_cast %broadcast_in_dim3A_121 : vector<256x1xf32> to vector<256xf32>
    %le3A_130 = arith.constant 6.400000e-01 : f32
    %le3A_131 = vector.broadcast %le3A_130 : f32 to vector<256xf32>
    %le3A_132 = arith.cmpf ole, %squeeze3A_129, %le3A_131 : vector<256xf32>
    %select_n3A_133 = arith.select %le3A_132, %reduce_min3A_128, %reduce_min3A_25 : vector<256xi1>, vector<256xf32>
    %broadcast_in_dim3A_134 = vector.shape_cast %select_n3A_133 : vector<256xf32> to vector<256x1xf32>
    %broadcast_in_dim3A_135 = vector.shape_cast %reduce_min3A_128 : vector<256xf32> to vector<256x1xf32>
    %eq3A_136 = vector.broadcast %broadcast_in_dim3A_135 : vector<256x1xf32> to vector<256x4096xf32>
    %eq3A_137 = arith.cmpf oeq, %convert_element_type3A, %eq3A_136 : vector<256x4096xf32>
    %jit3A_138 = arith.constant 3.000000e+38 : f32
    %broadcast_in_dim3A_139 = vector.broadcast %jit3A_138 : f32 to vector<256x4096xf32>
    %select_n3A_140 = arith.select %eq3A_137, %broadcast_in_dim3A_139, %select_n3A_118 : vector<256x4096xi1>, vector<256x4096xf32>
    %reduce_min3A_141 = arith.constant dense<0x7F800000> : vector<256xf32>
    %reduce_min3A_142 = vector.multi_reduction <minimumf>, %select_n3A_140, %reduce_min3A_141 [1] : vector<256x4096xf32> to vector<256xf32>
    %broadcast_in_dim3A_143 = vector.shape_cast %reduce_min3A_142 : vector<256xf32> to vector<256x1xf32>
    %le3A_144 = vector.broadcast %broadcast_in_dim3A_143 : vector<256x1xf32> to vector<256x4096xf32>
    %le3A_145 = arith.cmpf ole, %select_n3A_140, %le3A_144 : vector<256x4096xf32>
    %jit3A_146 = arith.constant 3.000000e+38 : f32
    %broadcast_in_dim3A_147 = vector.broadcast %jit3A_146 : f32 to vector<256x4096xf32>
    %select_n3A_148 = arith.select %le3A_145, %convert_element_type3A, %broadcast_in_dim3A_147 : vector<256x4096xi1>, vector<256x4096xf32>
    %reduce_min3A_149 = arith.constant dense<0x7F800000> : vector<256xf32>
    %reduce_min3A_150 = vector.multi_reduction <minimumf>, %select_n3A_148, %reduce_min3A_149 [1] : vector<256x4096xf32> to vector<256xf32>
    %squeeze3A_151 = vector.shape_cast %broadcast_in_dim3A_143 : vector<256x1xf32> to vector<256xf32>
    %le3A_152 = arith.constant 6.400000e-01 : f32
    %le3A_153 = vector.broadcast %le3A_152 : f32 to vector<256xf32>
    %le3A_154 = arith.cmpf ole, %squeeze3A_151, %le3A_153 : vector<256xf32>
    %select_n3A_155 = arith.select %le3A_154, %reduce_min3A_150, %reduce_min3A_25 : vector<256xi1>, vector<256xf32>
    %broadcast_in_dim3A_156 = vector.shape_cast %select_n3A_155 : vector<256xf32> to vector<256x1xf32>
    %broadcast_in_dim3A_157 = vector.shape_cast %reduce_min3A_150 : vector<256xf32> to vector<256x1xf32>
    %eq3A_158 = vector.broadcast %broadcast_in_dim3A_157 : vector<256x1xf32> to vector<256x4096xf32>
    %eq3A_159 = arith.cmpf oeq, %convert_element_type3A, %eq3A_158 : vector<256x4096xf32>
    %jit3A_160 = arith.constant 3.000000e+38 : f32
    %broadcast_in_dim3A_161 = vector.broadcast %jit3A_160 : f32 to vector<256x4096xf32>
    %select_n3A_162 = arith.select %eq3A_159, %broadcast_in_dim3A_161, %select_n3A_140 : vector<256x4096xi1>, vector<256x4096xf32>
    %reduce_min3A_163 = arith.constant dense<0x7F800000> : vector<256xf32>
    %reduce_min3A_164 = vector.multi_reduction <minimumf>, %select_n3A_162, %reduce_min3A_163 [1] : vector<256x4096xf32> to vector<256xf32>
    %broadcast_in_dim3A_165 = vector.shape_cast %reduce_min3A_164 : vector<256xf32> to vector<256x1xf32>
    %le3A_166 = vector.broadcast %broadcast_in_dim3A_165 : vector<256x1xf32> to vector<256x4096xf32>
    %le3A_167 = arith.cmpf ole, %select_n3A_162, %le3A_166 : vector<256x4096xf32>
    %jit3A_168 = arith.constant 3.000000e+38 : f32
    %broadcast_in_dim3A_169 = vector.broadcast %jit3A_168 : f32 to vector<256x4096xf32>
    %select_n3A_170 = arith.select %le3A_167, %convert_element_type3A, %broadcast_in_dim3A_169 : vector<256x4096xi1>, vector<256x4096xf32>
    %reduce_min3A_171 = arith.constant dense<0x7F800000> : vector<256xf32>
    %reduce_min3A_172 = vector.multi_reduction <minimumf>, %select_n3A_170, %reduce_min3A_171 [1] : vector<256x4096xf32> to vector<256xf32>
    %squeeze3A_173 = vector.shape_cast %broadcast_in_dim3A_165 : vector<256x1xf32> to vector<256xf32>
    %le3A_174 = arith.constant 6.400000e-01 : f32
    %le3A_175 = vector.broadcast %le3A_174 : f32 to vector<256xf32>
    %le3A_176 = arith.cmpf ole, %squeeze3A_173, %le3A_175 : vector<256xf32>
    %select_n3A_177 = arith.select %le3A_176, %reduce_min3A_172, %reduce_min3A_25 : vector<256xi1>, vector<256xf32>
    %broadcast_in_dim3A_178 = vector.shape_cast %select_n3A_177 : vector<256xf32> to vector<256x1xf32>
    %broadcast_in_dim3A_179 = vector.shape_cast %reduce_min3A_172 : vector<256xf32> to vector<256x1xf32>
    %eq3A_180 = vector.broadcast %broadcast_in_dim3A_179 : vector<256x1xf32> to vector<256x4096xf32>
    %eq3A_181 = arith.cmpf oeq, %convert_element_type3A, %eq3A_180 : vector<256x4096xf32>
    %jit3A_182 = arith.constant 3.000000e+38 : f32
    %broadcast_in_dim3A_183 = vector.broadcast %jit3A_182 : f32 to vector<256x4096xf32>
    %select_n3A_184 = arith.select %eq3A_181, %broadcast_in_dim3A_183, %select_n3A_162 : vector<256x4096xi1>, vector<256x4096xf32>
    %reduce_min3A_185 = arith.constant dense<0x7F800000> : vector<256xf32>
    %reduce_min3A_186 = vector.multi_reduction <minimumf>, %select_n3A_184, %reduce_min3A_185 [1] : vector<256x4096xf32> to vector<256xf32>
    %broadcast_in_dim3A_187 = vector.shape_cast %reduce_min3A_186 : vector<256xf32> to vector<256x1xf32>
    %le3A_188 = vector.broadcast %broadcast_in_dim3A_187 : vector<256x1xf32> to vector<256x4096xf32>
    %le3A_189 = arith.cmpf ole, %select_n3A_184, %le3A_188 : vector<256x4096xf32>
    %jit3A_190 = arith.constant 3.000000e+38 : f32
    %broadcast_in_dim3A_191 = vector.broadcast %jit3A_190 : f32 to vector<256x4096xf32>
    %select_n3A_192 = arith.select %le3A_189, %convert_element_type3A, %broadcast_in_dim3A_191 : vector<256x4096xi1>, vector<256x4096xf32>
    %reduce_min3A_193 = arith.constant dense<0x7F800000> : vector<256xf32>
    %reduce_min3A_194 = vector.multi_reduction <minimumf>, %select_n3A_192, %reduce_min3A_193 [1] : vector<256x4096xf32> to vector<256xf32>
    %squeeze3A_195 = vector.shape_cast %broadcast_in_dim3A_187 : vector<256x1xf32> to vector<256xf32>
    %le3A_196 = arith.constant 6.400000e-01 : f32
    %le3A_197 = vector.broadcast %le3A_196 : f32 to vector<256xf32>
    %le3A_198 = arith.cmpf ole, %squeeze3A_195, %le3A_197 : vector<256xf32>
    %select_n3A_199 = arith.select %le3A_198, %reduce_min3A_194, %reduce_min3A_25 : vector<256xi1>, vector<256xf32>
    %broadcast_in_dim3A_200 = vector.shape_cast %select_n3A_199 : vector<256xf32> to vector<256x1xf32>
    %broadcast_in_dim3A_201 = vector.shape_cast %reduce_min3A_194 : vector<256xf32> to vector<256x1xf32>
    %eq3A_202 = vector.broadcast %broadcast_in_dim3A_201 : vector<256x1xf32> to vector<256x4096xf32>
    %eq3A_203 = arith.cmpf oeq, %convert_element_type3A, %eq3A_202 : vector<256x4096xf32>
    %jit3A_204 = arith.constant 3.000000e+38 : f32
    %broadcast_in_dim3A_205 = vector.broadcast %jit3A_204 : f32 to vector<256x4096xf32>
    %select_n3A_206 = arith.select %eq3A_203, %broadcast_in_dim3A_205, %select_n3A_184 : vector<256x4096xi1>, vector<256x4096xf32>
    %reduce_min3A_207 = arith.constant dense<0x7F800000> : vector<256xf32>
    %reduce_min3A_208 = vector.multi_reduction <minimumf>, %select_n3A_206, %reduce_min3A_207 [1] : vector<256x4096xf32> to vector<256xf32>
    %broadcast_in_dim3A_209 = vector.shape_cast %reduce_min3A_208 : vector<256xf32> to vector<256x1xf32>
    %le3A_210 = vector.broadcast %broadcast_in_dim3A_209 : vector<256x1xf32> to vector<256x4096xf32>
    %le3A_211 = arith.cmpf ole, %select_n3A_206, %le3A_210 : vector<256x4096xf32>
    %jit3A_212 = arith.constant 3.000000e+38 : f32
    %broadcast_in_dim3A_213 = vector.broadcast %jit3A_212 : f32 to vector<256x4096xf32>
    %select_n3A_214 = arith.select %le3A_211, %convert_element_type3A, %broadcast_in_dim3A_213 : vector<256x4096xi1>, vector<256x4096xf32>
    %reduce_min3A_215 = arith.constant dense<0x7F800000> : vector<256xf32>
    %reduce_min3A_216 = vector.multi_reduction <minimumf>, %select_n3A_214, %reduce_min3A_215 [1] : vector<256x4096xf32> to vector<256xf32>
    %squeeze3A_217 = vector.shape_cast %broadcast_in_dim3A_209 : vector<256x1xf32> to vector<256xf32>
    %le3A_218 = arith.constant 6.400000e-01 : f32
    %le3A_219 = vector.broadcast %le3A_218 : f32 to vector<256xf32>
    %le3A_220 = arith.cmpf ole, %squeeze3A_217, %le3A_219 : vector<256xf32>
    %select_n3A_221 = arith.select %le3A_220, %reduce_min3A_216, %reduce_min3A_25 : vector<256xi1>, vector<256xf32>
    %broadcast_in_dim3A_222 = vector.shape_cast %select_n3A_221 : vector<256xf32> to vector<256x1xf32>
    %broadcast_in_dim3A_223 = vector.shape_cast %reduce_min3A_216 : vector<256xf32> to vector<256x1xf32>
    %eq3A_224 = vector.broadcast %broadcast_in_dim3A_223 : vector<256x1xf32> to vector<256x4096xf32>
    %eq3A_225 = arith.cmpf oeq, %convert_element_type3A, %eq3A_224 : vector<256x4096xf32>
    %jit3A_226 = arith.constant 3.000000e+38 : f32
    %broadcast_in_dim3A_227 = vector.broadcast %jit3A_226 : f32 to vector<256x4096xf32>
    %select_n3A_228 = arith.select %eq3A_225, %broadcast_in_dim3A_227, %select_n3A_206 : vector<256x4096xi1>, vector<256x4096xf32>
    %reduce_min3A_229 = arith.constant dense<0x7F800000> : vector<256xf32>
    %reduce_min3A_230 = vector.multi_reduction <minimumf>, %select_n3A_228, %reduce_min3A_229 [1] : vector<256x4096xf32> to vector<256xf32>
    %broadcast_in_dim3A_231 = vector.shape_cast %reduce_min3A_230 : vector<256xf32> to vector<256x1xf32>
    %le3A_232 = vector.broadcast %broadcast_in_dim3A_231 : vector<256x1xf32> to vector<256x4096xf32>
    %le3A_233 = arith.cmpf ole, %select_n3A_228, %le3A_232 : vector<256x4096xf32>
    %jit3A_234 = arith.constant 3.000000e+38 : f32
    %broadcast_in_dim3A_235 = vector.broadcast %jit3A_234 : f32 to vector<256x4096xf32>
    %select_n3A_236 = arith.select %le3A_233, %convert_element_type3A, %broadcast_in_dim3A_235 : vector<256x4096xi1>, vector<256x4096xf32>
    %reduce_min3A_237 = arith.constant dense<0x7F800000> : vector<256xf32>
    %reduce_min3A_238 = vector.multi_reduction <minimumf>, %select_n3A_236, %reduce_min3A_237 [1] : vector<256x4096xf32> to vector<256xf32>
    %squeeze3A_239 = vector.shape_cast %broadcast_in_dim3A_231 : vector<256x1xf32> to vector<256xf32>
    %le3A_240 = arith.constant 6.400000e-01 : f32
    %le3A_241 = vector.broadcast %le3A_240 : f32 to vector<256xf32>
    %le3A_242 = arith.cmpf ole, %squeeze3A_239, %le3A_241 : vector<256xf32>
    %select_n3A_243 = arith.select %le3A_242, %reduce_min3A_238, %reduce_min3A_25 : vector<256xi1>, vector<256xf32>
    %broadcast_in_dim3A_244 = vector.shape_cast %select_n3A_243 : vector<256xf32> to vector<256x1xf32>
    %broadcast_in_dim3A_245 = vector.shape_cast %reduce_min3A_238 : vector<256xf32> to vector<256x1xf32>
    %eq3A_246 = vector.broadcast %broadcast_in_dim3A_245 : vector<256x1xf32> to vector<256x4096xf32>
    %eq3A_247 = arith.cmpf oeq, %convert_element_type3A, %eq3A_246 : vector<256x4096xf32>
    %jit3A_248 = arith.constant 3.000000e+38 : f32
    %broadcast_in_dim3A_249 = vector.broadcast %jit3A_248 : f32 to vector<256x4096xf32>
    %select_n3A_250 = arith.select %eq3A_247, %broadcast_in_dim3A_249, %select_n3A_228 : vector<256x4096xi1>, vector<256x4096xf32>
    %reduce_min3A_251 = arith.constant dense<0x7F800000> : vector<256xf32>
    %reduce_min3A_252 = vector.multi_reduction <minimumf>, %select_n3A_250, %reduce_min3A_251 [1] : vector<256x4096xf32> to vector<256xf32>
    %broadcast_in_dim3A_253 = vector.shape_cast %reduce_min3A_252 : vector<256xf32> to vector<256x1xf32>
    %le3A_254 = vector.broadcast %broadcast_in_dim3A_253 : vector<256x1xf32> to vector<256x4096xf32>
    %le3A_255 = arith.cmpf ole, %select_n3A_250, %le3A_254 : vector<256x4096xf32>
    %jit3A_256 = arith.constant 3.000000e+38 : f32
    %broadcast_in_dim3A_257 = vector.broadcast %jit3A_256 : f32 to vector<256x4096xf32>
    %select_n3A_258 = arith.select %le3A_255, %convert_element_type3A, %broadcast_in_dim3A_257 : vector<256x4096xi1>, vector<256x4096xf32>
    %reduce_min3A_259 = arith.constant dense<0x7F800000> : vector<256xf32>
    %reduce_min3A_260 = vector.multi_reduction <minimumf>, %select_n3A_258, %reduce_min3A_259 [1] : vector<256x4096xf32> to vector<256xf32>
    %squeeze3A_261 = vector.shape_cast %broadcast_in_dim3A_253 : vector<256x1xf32> to vector<256xf32>
    %le3A_262 = arith.constant 6.400000e-01 : f32
    %le3A_263 = vector.broadcast %le3A_262 : f32 to vector<256xf32>
    %le3A_264 = arith.cmpf ole, %squeeze3A_261, %le3A_263 : vector<256xf32>
    %select_n3A_265 = arith.select %le3A_264, %reduce_min3A_260, %reduce_min3A_25 : vector<256xi1>, vector<256xf32>
    %broadcast_in_dim3A_266 = vector.shape_cast %select_n3A_265 : vector<256xf32> to vector<256x1xf32>
    %broadcast_in_dim3A_267 = vector.shape_cast %reduce_min3A_260 : vector<256xf32> to vector<256x1xf32>
    %eq3A_268 = vector.broadcast %broadcast_in_dim3A_267 : vector<256x1xf32> to vector<256x4096xf32>
    %eq3A_269 = arith.cmpf oeq, %convert_element_type3A, %eq3A_268 : vector<256x4096xf32>
    %jit3A_270 = arith.constant 3.000000e+38 : f32
    %broadcast_in_dim3A_271 = vector.broadcast %jit3A_270 : f32 to vector<256x4096xf32>
    %select_n3A_272 = arith.select %eq3A_269, %broadcast_in_dim3A_271, %select_n3A_250 : vector<256x4096xi1>, vector<256x4096xf32>
    %reduce_min3A_273 = arith.constant dense<0x7F800000> : vector<256xf32>
    %reduce_min3A_274 = vector.multi_reduction <minimumf>, %select_n3A_272, %reduce_min3A_273 [1] : vector<256x4096xf32> to vector<256xf32>
    %broadcast_in_dim3A_275 = vector.shape_cast %reduce_min3A_274 : vector<256xf32> to vector<256x1xf32>
    %le3A_276 = vector.broadcast %broadcast_in_dim3A_275 : vector<256x1xf32> to vector<256x4096xf32>
    %le3A_277 = arith.cmpf ole, %select_n3A_272, %le3A_276 : vector<256x4096xf32>
    %jit3A_278 = arith.constant 3.000000e+38 : f32
    %broadcast_in_dim3A_279 = vector.broadcast %jit3A_278 : f32 to vector<256x4096xf32>
    %select_n3A_280 = arith.select %le3A_277, %convert_element_type3A, %broadcast_in_dim3A_279 : vector<256x4096xi1>, vector<256x4096xf32>
    %reduce_min3A_281 = arith.constant dense<0x7F800000> : vector<256xf32>
    %reduce_min3A_282 = vector.multi_reduction <minimumf>, %select_n3A_280, %reduce_min3A_281 [1] : vector<256x4096xf32> to vector<256xf32>
    %squeeze3A_283 = vector.shape_cast %broadcast_in_dim3A_275 : vector<256x1xf32> to vector<256xf32>
    %le3A_284 = arith.constant 6.400000e-01 : f32
    %le3A_285 = vector.broadcast %le3A_284 : f32 to vector<256xf32>
    %le3A_286 = arith.cmpf ole, %squeeze3A_283, %le3A_285 : vector<256xf32>
    %select_n3A_287 = arith.select %le3A_286, %reduce_min3A_282, %reduce_min3A_25 : vector<256xi1>, vector<256xf32>
    %broadcast_in_dim3A_288 = vector.shape_cast %select_n3A_287 : vector<256xf32> to vector<256x1xf32>
    %broadcast_in_dim3A_289 = vector.shape_cast %reduce_min3A_282 : vector<256xf32> to vector<256x1xf32>
    %eq3A_290 = vector.broadcast %broadcast_in_dim3A_289 : vector<256x1xf32> to vector<256x4096xf32>
    %eq3A_291 = arith.cmpf oeq, %convert_element_type3A, %eq3A_290 : vector<256x4096xf32>
    %jit3A_292 = arith.constant 3.000000e+38 : f32
    %broadcast_in_dim3A_293 = vector.broadcast %jit3A_292 : f32 to vector<256x4096xf32>
    %select_n3A_294 = arith.select %eq3A_291, %broadcast_in_dim3A_293, %select_n3A_272 : vector<256x4096xi1>, vector<256x4096xf32>
    %reduce_min3A_295 = arith.constant dense<0x7F800000> : vector<256xf32>
    %reduce_min3A_296 = vector.multi_reduction <minimumf>, %select_n3A_294, %reduce_min3A_295 [1] : vector<256x4096xf32> to vector<256xf32>
    %broadcast_in_dim3A_297 = vector.shape_cast %reduce_min3A_296 : vector<256xf32> to vector<256x1xf32>
    %le3A_298 = vector.broadcast %broadcast_in_dim3A_297 : vector<256x1xf32> to vector<256x4096xf32>
    %le3A_299 = arith.cmpf ole, %select_n3A_294, %le3A_298 : vector<256x4096xf32>
    %jit3A_300 = arith.constant 3.000000e+38 : f32
    %broadcast_in_dim3A_301 = vector.broadcast %jit3A_300 : f32 to vector<256x4096xf32>
    %select_n3A_302 = arith.select %le3A_299, %convert_element_type3A, %broadcast_in_dim3A_301 : vector<256x4096xi1>, vector<256x4096xf32>
    %reduce_min3A_303 = arith.constant dense<0x7F800000> : vector<256xf32>
    %reduce_min3A_304 = vector.multi_reduction <minimumf>, %select_n3A_302, %reduce_min3A_303 [1] : vector<256x4096xf32> to vector<256xf32>
    %squeeze3A_305 = vector.shape_cast %broadcast_in_dim3A_297 : vector<256x1xf32> to vector<256xf32>
    %le3A_306 = arith.constant 6.400000e-01 : f32
    %le3A_307 = vector.broadcast %le3A_306 : f32 to vector<256xf32>
    %le3A_308 = arith.cmpf ole, %squeeze3A_305, %le3A_307 : vector<256xf32>
    %select_n3A_309 = arith.select %le3A_308, %reduce_min3A_304, %reduce_min3A_25 : vector<256xi1>, vector<256xf32>
    %broadcast_in_dim3A_310 = vector.shape_cast %select_n3A_309 : vector<256xf32> to vector<256x1xf32>
    %broadcast_in_dim3A_311 = vector.shape_cast %reduce_min3A_304 : vector<256xf32> to vector<256x1xf32>
    %eq3A_312 = vector.broadcast %broadcast_in_dim3A_311 : vector<256x1xf32> to vector<256x4096xf32>
    %eq3A_313 = arith.cmpf oeq, %convert_element_type3A, %eq3A_312 : vector<256x4096xf32>
    %jit3A_314 = arith.constant 3.000000e+38 : f32
    %broadcast_in_dim3A_315 = vector.broadcast %jit3A_314 : f32 to vector<256x4096xf32>
    %select_n3A_316 = arith.select %eq3A_313, %broadcast_in_dim3A_315, %select_n3A_294 : vector<256x4096xi1>, vector<256x4096xf32>
    %reduce_min3A_317 = arith.constant dense<0x7F800000> : vector<256xf32>
    %reduce_min3A_318 = vector.multi_reduction <minimumf>, %select_n3A_316, %reduce_min3A_317 [1] : vector<256x4096xf32> to vector<256xf32>
    %broadcast_in_dim3A_319 = vector.shape_cast %reduce_min3A_318 : vector<256xf32> to vector<256x1xf32>
    %le3A_320 = vector.broadcast %broadcast_in_dim3A_319 : vector<256x1xf32> to vector<256x4096xf32>
    %le3A_321 = arith.cmpf ole, %select_n3A_316, %le3A_320 : vector<256x4096xf32>
    %jit3A_322 = arith.constant 3.000000e+38 : f32
    %broadcast_in_dim3A_323 = vector.broadcast %jit3A_322 : f32 to vector<256x4096xf32>
    %select_n3A_324 = arith.select %le3A_321, %convert_element_type3A, %broadcast_in_dim3A_323 : vector<256x4096xi1>, vector<256x4096xf32>
    %reduce_min3A_325 = arith.constant dense<0x7F800000> : vector<256xf32>
    %reduce_min3A_326 = vector.multi_reduction <minimumf>, %select_n3A_324, %reduce_min3A_325 [1] : vector<256x4096xf32> to vector<256xf32>
    %squeeze3A_327 = vector.shape_cast %broadcast_in_dim3A_319 : vector<256x1xf32> to vector<256xf32>
    %le3A_328 = arith.constant 6.400000e-01 : f32
    %le3A_329 = vector.broadcast %le3A_328 : f32 to vector<256xf32>
    %le3A_330 = arith.cmpf ole, %squeeze3A_327, %le3A_329 : vector<256xf32>
    %select_n3A_331 = arith.select %le3A_330, %reduce_min3A_326, %reduce_min3A_25 : vector<256xi1>, vector<256xf32>
    %broadcast_in_dim3A_332 = vector.shape_cast %select_n3A_331 : vector<256xf32> to vector<256x1xf32>
    %broadcast_in_dim3A_333 = vector.shape_cast %reduce_min3A_326 : vector<256xf32> to vector<256x1xf32>
    %eq3A_334 = vector.broadcast %broadcast_in_dim3A_333 : vector<256x1xf32> to vector<256x4096xf32>
    %eq3A_335 = arith.cmpf oeq, %convert_element_type3A, %eq3A_334 : vector<256x4096xf32>
    %jit3A_336 = arith.constant 3.000000e+38 : f32
    %broadcast_in_dim3A_337 = vector.broadcast %jit3A_336 : f32 to vector<256x4096xf32>
    %select_n3A_338 = arith.select %eq3A_335, %broadcast_in_dim3A_337, %select_n3A_316 : vector<256x4096xi1>, vector<256x4096xf32>
    %reduce_min3A_339 = arith.constant dense<0x7F800000> : vector<256xf32>
    %reduce_min3A_340 = vector.multi_reduction <minimumf>, %select_n3A_338, %reduce_min3A_339 [1] : vector<256x4096xf32> to vector<256xf32>
    %broadcast_in_dim3A_341 = vector.shape_cast %reduce_min3A_340 : vector<256xf32> to vector<256x1xf32>
    %le3A_342 = vector.broadcast %broadcast_in_dim3A_341 : vector<256x1xf32> to vector<256x4096xf32>
    %le3A_343 = arith.cmpf ole, %select_n3A_338, %le3A_342 : vector<256x4096xf32>
    %jit3A_344 = arith.constant 3.000000e+38 : f32
    %broadcast_in_dim3A_345 = vector.broadcast %jit3A_344 : f32 to vector<256x4096xf32>
    %select_n3A_346 = arith.select %le3A_343, %convert_element_type3A, %broadcast_in_dim3A_345 : vector<256x4096xi1>, vector<256x4096xf32>
    %reduce_min3A_347 = arith.constant dense<0x7F800000> : vector<256xf32>
    %reduce_min3A_348 = vector.multi_reduction <minimumf>, %select_n3A_346, %reduce_min3A_347 [1] : vector<256x4096xf32> to vector<256xf32>
    %squeeze3A_349 = vector.shape_cast %broadcast_in_dim3A_341 : vector<256x1xf32> to vector<256xf32>
    %le3A_350 = arith.constant 6.400000e-01 : f32
    %le3A_351 = vector.broadcast %le3A_350 : f32 to vector<256xf32>
    %le3A_352 = arith.cmpf ole, %squeeze3A_349, %le3A_351 : vector<256xf32>
    %select_n3A_353 = arith.select %le3A_352, %reduce_min3A_348, %reduce_min3A_25 : vector<256xi1>, vector<256xf32>
    %broadcast_in_dim3A_354 = vector.shape_cast %select_n3A_353 : vector<256xf32> to vector<256x1xf32>
    %concatenate3A = tpu.concatenate %broadcast_in_dim3A_26, %broadcast_in_dim3A_46, %broadcast_in_dim3A_68, %broadcast_in_dim3A_90, %broadcast_in_dim3A_112, %broadcast_in_dim3A_134, %broadcast_in_dim3A_156, %broadcast_in_dim3A_178, %broadcast_in_dim3A_200, %broadcast_in_dim3A_222, %broadcast_in_dim3A_244, %broadcast_in_dim3A_266, %broadcast_in_dim3A_288, %broadcast_in_dim3A_310, %broadcast_in_dim3A_332, %broadcast_in_dim3A_354 in 1 : vector<256x1xf32>, vector<256x1xf32>, vector<256x1xf32>, vector<256x1xf32>, vector<256x1xf32>, vector<256x1xf32>, vector<256x1xf32>, vector<256x1xf32>, vector<256x1xf32>, vector<256x1xf32>, vector<256x1xf32>, vector<256x1xf32>, vector<256x1xf32>, vector<256x1xf32>, vector<256x1xf32>, vector<256x1xf32> -> vector<256x16xf32>
    %convert_element_type3A_355 = arith.fptosi %concatenate3A : vector<256x16xf32> to vector<256x16xi32>
    %mul3A_356 = arith.constant 4096 : i32
    %mul3A_357 = arith.muli %arg0, %mul3A_356 : i32
    %add3A_358 = vector.broadcast %mul3A_357 : i32 to vector<256x16xi32>
    %add3A_359 = arith.addi %convert_element_type3A_355, %add3A_358 : vector<256x16xi32>
    %swap3A = arith.constant 0 : index
    %swap3A_360 = arith.constant 0 : index
    %swap3A_361 = arith.constant 0 : index
    %swap3A_362 = vector.load %arg4[%swap3A, %swap3A_360, %swap3A_361] : memref<1x256x16xi32, #tpu.memory_space<vmem>>, vector<1x256x16xi32>
    %swap3A_363 = vector.shape_cast %swap3A_362 : vector<1x256x16xi32> to vector<256x16xi32>
    %swap3A_364 = vector.shape_cast %add3A_359 : vector<256x16xi32> to vector<1x256x16xi32>
    tpu.vector_store %arg4[%swap3A, %swap3A_360, %swap3A_361], %swap3A_364 {strides = array<i32>} : memref<1x256x16xi32, #tpu.memory_space<vmem>>, vector<1x256x16xi32>,
    return
  }
  func.func @transform_0(%arg0: i32, %arg1: i32) -> (i32, i32, i32) {
    %c0_i32 = arith.constant 0 : i32
    %c0_i32_0 = arith.constant 0 : i32
    return %arg0, %arg1, %c0_i32 : i32, i32, i32
  }
  func.func @transform_1(%arg0: i32, %arg1: i32) -> (i32, i32, i32) {
    %c0_i32 = arith.constant 0 : i32
    %c0_i32_0 = arith.constant 0 : i32
    %c0_i32_1 = arith.constant 0 : i32
    return %arg0, %c0_i32, %c0_i32_0 : i32, i32, i32
  }
  func.func @transform_2(%arg0: i32, %arg1: i32) -> (i32, i32, i32) {
    %c0_i32 = arith.constant 0 : i32
    %c0_i32_0 = arith.constant 0 : i32
    return %arg0, %arg1, %c0_i32 : i32, i32, i32
  }
}

module attributes {stable_mosaic.version = 14 : i64} {
  func.func @kern(%arg0: i32, %arg1: i32, %arg2: memref<1x256x3xf32, #tpu.memory_space<vmem>>, %arg3: memref<1x1024x3xf32, #tpu.memory_space<vmem>>, %arg4: memref<1x256x16xi32, #tpu.memory_space<vmem>>) attributes {dimension_semantics = [#tpu.dimension_semantics<parallel>, #tpu.dimension_semantics<parallel>], iteration_bounds = array<i64: 4, 1>, scalar_prefetch = 0 : i64, scratch_operands = 0 : i64, tpu.core_type = #tpu.core_type<tc>, window_params = [{transform_indices = @transform_0, window_bounds = array<i64: 1, 256, 3>}, {transform_indices = @transform_1, window_bounds = array<i64: 1, 1024, 3>}, {transform_indices = @transform_2, window_bounds = array<i64: 1, 256, 16>}]} {
    %get3A = arith.constant 0 : index
    %get3A_0 = arith.constant 0 : index
    %get3A_1 = arith.constant 0 : index
    %get3A_2 = vector.load %arg2[%get3A, %get3A_0, %get3A_1] : memref<1x256x3xf32, #tpu.memory_space<vmem>>, vector<1x256x3xf32>
    %get3A_3 = vector.shape_cast %get3A_2 : vector<1x256x3xf32> to vector<256x3xf32>
    %get3A_4 = arith.constant 0 : index
    %get3A_5 = arith.constant 0 : index
    %get3A_6 = arith.constant 0 : index
    %get3A_7 = vector.load %arg3[%get3A_4, %get3A_5, %get3A_6] : memref<1x1024x3xf32, #tpu.memory_space<vmem>>, vector<1x1024x3xf32>
    %get3A_8 = vector.shape_cast %get3A_7 : vector<1x1024x3xf32> to vector<1024x3xf32>
    %mul3A = arith.mulf %get3A_3, %get3A_3 : vector<256x3xf32>
    %reduce_sum3A = arith.constant dense<0.000000e+00> : vector<256xf32>
    %reduce_sum3A_9 = vector.multi_reduction <add>, %mul3A, %reduce_sum3A [1] : vector<256x3xf32> to vector<256xf32>
    %broadcast_in_dim3A = vector.shape_cast %reduce_sum3A_9 : vector<256xf32> to vector<256x1xf32>
    %mul3A_10 = arith.mulf %get3A_8, %get3A_8 : vector<1024x3xf32>
    %reduce_sum3A_11 = arith.constant dense<0.000000e+00> : vector<1024xf32>
    %reduce_sum3A_12 = vector.multi_reduction <add>, %mul3A_10, %reduce_sum3A_11 [1] : vector<1024x3xf32> to vector<1024xf32>
    %broadcast_in_dim3A_13 = vector.shape_cast %reduce_sum3A_12 : vector<1024xf32> to vector<1x1024xf32>
    %dot_general3A = arith.constant dense<0.000000e+00> : vector<256x1024xf32>
    %dot_general3A_14 = tpu.matmul %get3A_3, %get3A_8, %dot_general3A {dimension_numbers = #tpu.dot_dimension_numbers<[1], [1], [0], [0], [0, 0, 1, 0], [], []>, transpose_lhs_hint = false} : vector<256x3xf32>, vector<1024x3xf32>, vector<256x1024xf32> -> vector<256x1024xf32>
    %add3A = vector.broadcast %broadcast_in_dim3A : vector<256x1xf32> to vector<256x1024xf32>
    %add3A_15 = vector.broadcast %broadcast_in_dim3A_13 : vector<1x1024xf32> to vector<256x1024xf32>
    %add3A_16 = arith.addf %add3A, %add3A_15 : vector<256x1024xf32>
    %mul3A_17 = arith.constant 2.000000e+00 : f32
    %mul3A_18 = vector.broadcast %mul3A_17 : f32 to vector<256x1024xf32>
    %mul3A_19 = arith.mulf %mul3A_18, %dot_general3A_14 : vector<256x1024xf32>
    %sub3A = arith.subf %add3A_16, %mul3A_19 : vector<256x1024xf32>
    %iota3A = tpu.iota {dimensions = array<i32: 1>} : vector<256x1024xi32>
    %convert_element_type3A = arith.sitofp %iota3A : vector<256x1024xi32> to vector<256x1024xf32>
    %reduce_min3A = arith.constant dense<0x7F800000> : vector<256xf32>
    %reduce_min3A_20 = vector.multi_reduction <minimumf>, %sub3A, %reduce_min3A [1] : vector<256x1024xf32> to vector<256xf32>
    %broadcast_in_dim3A_21 = vector.shape_cast %reduce_min3A_20 : vector<256xf32> to vector<256x1xf32>
    %le3A = vector.broadcast %broadcast_in_dim3A_21 : vector<256x1xf32> to vector<256x1024xf32>
    %le3A_22 = arith.cmpf ole, %sub3A, %le3A : vector<256x1024xf32>
    %jit3A = arith.constant 3.000000e+38 : f32
    %broadcast_in_dim3A_23 = vector.broadcast %jit3A : f32 to vector<256x1024xf32>
    %select_n3A = arith.select %le3A_22, %convert_element_type3A, %broadcast_in_dim3A_23 : vector<256x1024xi1>, vector<256x1024xf32>
    %reduce_min3A_24 = arith.constant dense<0x7F800000> : vector<256xf32>
    %reduce_min3A_25 = vector.multi_reduction <minimumf>, %select_n3A, %reduce_min3A_24 [1] : vector<256x1024xf32> to vector<256xf32>
    %broadcast_in_dim3A_26 = vector.shape_cast %reduce_min3A_25 : vector<256xf32> to vector<256x1xf32>
    %broadcast_in_dim3A_27 = vector.shape_cast %reduce_min3A_25 : vector<256xf32> to vector<256x1xf32>
    %eq3A = vector.broadcast %broadcast_in_dim3A_27 : vector<256x1xf32> to vector<256x1024xf32>
    %eq3A_28 = arith.cmpf oeq, %convert_element_type3A, %eq3A : vector<256x1024xf32>
    %jit3A_29 = arith.constant 3.000000e+38 : f32
    %broadcast_in_dim3A_30 = vector.broadcast %jit3A_29 : f32 to vector<256x1024xf32>
    %select_n3A_31 = arith.select %eq3A_28, %broadcast_in_dim3A_30, %sub3A : vector<256x1024xi1>, vector<256x1024xf32>
    %reduce_min3A_32 = arith.constant dense<0x7F800000> : vector<256xf32>
    %reduce_min3A_33 = vector.multi_reduction <minimumf>, %select_n3A_31, %reduce_min3A_32 [1] : vector<256x1024xf32> to vector<256xf32>
    %broadcast_in_dim3A_34 = vector.shape_cast %reduce_min3A_33 : vector<256xf32> to vector<256x1xf32>
    %le3A_35 = vector.broadcast %broadcast_in_dim3A_34 : vector<256x1xf32> to vector<256x1024xf32>
    %le3A_36 = arith.cmpf ole, %select_n3A_31, %le3A_35 : vector<256x1024xf32>
    %jit3A_37 = arith.constant 3.000000e+38 : f32
    %broadcast_in_dim3A_38 = vector.broadcast %jit3A_37 : f32 to vector<256x1024xf32>
    %select_n3A_39 = arith.select %le3A_36, %convert_element_type3A, %broadcast_in_dim3A_38 : vector<256x1024xi1>, vector<256x1024xf32>
    %reduce_min3A_40 = arith.constant dense<0x7F800000> : vector<256xf32>
    %reduce_min3A_41 = vector.multi_reduction <minimumf>, %select_n3A_39, %reduce_min3A_40 [1] : vector<256x1024xf32> to vector<256xf32>
    %squeeze3A = vector.shape_cast %broadcast_in_dim3A_34 : vector<256x1xf32> to vector<256xf32>
    %le3A_42 = arith.constant 2.560000e+00 : f32
    %le3A_43 = vector.broadcast %le3A_42 : f32 to vector<256xf32>
    %le3A_44 = arith.cmpf ole, %squeeze3A, %le3A_43 : vector<256xf32>
    %select_n3A_45 = arith.select %le3A_44, %reduce_min3A_41, %reduce_min3A_25 : vector<256xi1>, vector<256xf32>
    %broadcast_in_dim3A_46 = vector.shape_cast %select_n3A_45 : vector<256xf32> to vector<256x1xf32>
    %broadcast_in_dim3A_47 = vector.shape_cast %reduce_min3A_41 : vector<256xf32> to vector<256x1xf32>
    %eq3A_48 = vector.broadcast %broadcast_in_dim3A_47 : vector<256x1xf32> to vector<256x1024xf32>
    %eq3A_49 = arith.cmpf oeq, %convert_element_type3A, %eq3A_48 : vector<256x1024xf32>
    %jit3A_50 = arith.constant 3.000000e+38 : f32
    %broadcast_in_dim3A_51 = vector.broadcast %jit3A_50 : f32 to vector<256x1024xf32>
    %select_n3A_52 = arith.select %eq3A_49, %broadcast_in_dim3A_51, %select_n3A_31 : vector<256x1024xi1>, vector<256x1024xf32>
    %reduce_min3A_53 = arith.constant dense<0x7F800000> : vector<256xf32>
    %reduce_min3A_54 = vector.multi_reduction <minimumf>, %select_n3A_52, %reduce_min3A_53 [1] : vector<256x1024xf32> to vector<256xf32>
    %broadcast_in_dim3A_55 = vector.shape_cast %reduce_min3A_54 : vector<256xf32> to vector<256x1xf32>
    %le3A_56 = vector.broadcast %broadcast_in_dim3A_55 : vector<256x1xf32> to vector<256x1024xf32>
    %le3A_57 = arith.cmpf ole, %select_n3A_52, %le3A_56 : vector<256x1024xf32>
    %jit3A_58 = arith.constant 3.000000e+38 : f32
    %broadcast_in_dim3A_59 = vector.broadcast %jit3A_58 : f32 to vector<256x1024xf32>
    %select_n3A_60 = arith.select %le3A_57, %convert_element_type3A, %broadcast_in_dim3A_59 : vector<256x1024xi1>, vector<256x1024xf32>
    %reduce_min3A_61 = arith.constant dense<0x7F800000> : vector<256xf32>
    %reduce_min3A_62 = vector.multi_reduction <minimumf>, %select_n3A_60, %reduce_min3A_61 [1] : vector<256x1024xf32> to vector<256xf32>
    %squeeze3A_63 = vector.shape_cast %broadcast_in_dim3A_55 : vector<256x1xf32> to vector<256xf32>
    %le3A_64 = arith.constant 2.560000e+00 : f32
    %le3A_65 = vector.broadcast %le3A_64 : f32 to vector<256xf32>
    %le3A_66 = arith.cmpf ole, %squeeze3A_63, %le3A_65 : vector<256xf32>
    %select_n3A_67 = arith.select %le3A_66, %reduce_min3A_62, %reduce_min3A_25 : vector<256xi1>, vector<256xf32>
    %broadcast_in_dim3A_68 = vector.shape_cast %select_n3A_67 : vector<256xf32> to vector<256x1xf32>
    %broadcast_in_dim3A_69 = vector.shape_cast %reduce_min3A_62 : vector<256xf32> to vector<256x1xf32>
    %eq3A_70 = vector.broadcast %broadcast_in_dim3A_69 : vector<256x1xf32> to vector<256x1024xf32>
    %eq3A_71 = arith.cmpf oeq, %convert_element_type3A, %eq3A_70 : vector<256x1024xf32>
    %jit3A_72 = arith.constant 3.000000e+38 : f32
    %broadcast_in_dim3A_73 = vector.broadcast %jit3A_72 : f32 to vector<256x1024xf32>
    %select_n3A_74 = arith.select %eq3A_71, %broadcast_in_dim3A_73, %select_n3A_52 : vector<256x1024xi1>, vector<256x1024xf32>
    %reduce_min3A_75 = arith.constant dense<0x7F800000> : vector<256xf32>
    %reduce_min3A_76 = vector.multi_reduction <minimumf>, %select_n3A_74, %reduce_min3A_75 [1] : vector<256x1024xf32> to vector<256xf32>
    %broadcast_in_dim3A_77 = vector.shape_cast %reduce_min3A_76 : vector<256xf32> to vector<256x1xf32>
    %le3A_78 = vector.broadcast %broadcast_in_dim3A_77 : vector<256x1xf32> to vector<256x1024xf32>
    %le3A_79 = arith.cmpf ole, %select_n3A_74, %le3A_78 : vector<256x1024xf32>
    %jit3A_80 = arith.constant 3.000000e+38 : f32
    %broadcast_in_dim3A_81 = vector.broadcast %jit3A_80 : f32 to vector<256x1024xf32>
    %select_n3A_82 = arith.select %le3A_79, %convert_element_type3A, %broadcast_in_dim3A_81 : vector<256x1024xi1>, vector<256x1024xf32>
    %reduce_min3A_83 = arith.constant dense<0x7F800000> : vector<256xf32>
    %reduce_min3A_84 = vector.multi_reduction <minimumf>, %select_n3A_82, %reduce_min3A_83 [1] : vector<256x1024xf32> to vector<256xf32>
    %squeeze3A_85 = vector.shape_cast %broadcast_in_dim3A_77 : vector<256x1xf32> to vector<256xf32>
    %le3A_86 = arith.constant 2.560000e+00 : f32
    %le3A_87 = vector.broadcast %le3A_86 : f32 to vector<256xf32>
    %le3A_88 = arith.cmpf ole, %squeeze3A_85, %le3A_87 : vector<256xf32>
    %select_n3A_89 = arith.select %le3A_88, %reduce_min3A_84, %reduce_min3A_25 : vector<256xi1>, vector<256xf32>
    %broadcast_in_dim3A_90 = vector.shape_cast %select_n3A_89 : vector<256xf32> to vector<256x1xf32>
    %broadcast_in_dim3A_91 = vector.shape_cast %reduce_min3A_84 : vector<256xf32> to vector<256x1xf32>
    %eq3A_92 = vector.broadcast %broadcast_in_dim3A_91 : vector<256x1xf32> to vector<256x1024xf32>
    %eq3A_93 = arith.cmpf oeq, %convert_element_type3A, %eq3A_92 : vector<256x1024xf32>
    %jit3A_94 = arith.constant 3.000000e+38 : f32
    %broadcast_in_dim3A_95 = vector.broadcast %jit3A_94 : f32 to vector<256x1024xf32>
    %select_n3A_96 = arith.select %eq3A_93, %broadcast_in_dim3A_95, %select_n3A_74 : vector<256x1024xi1>, vector<256x1024xf32>
    %reduce_min3A_97 = arith.constant dense<0x7F800000> : vector<256xf32>
    %reduce_min3A_98 = vector.multi_reduction <minimumf>, %select_n3A_96, %reduce_min3A_97 [1] : vector<256x1024xf32> to vector<256xf32>
    %broadcast_in_dim3A_99 = vector.shape_cast %reduce_min3A_98 : vector<256xf32> to vector<256x1xf32>
    %le3A_100 = vector.broadcast %broadcast_in_dim3A_99 : vector<256x1xf32> to vector<256x1024xf32>
    %le3A_101 = arith.cmpf ole, %select_n3A_96, %le3A_100 : vector<256x1024xf32>
    %jit3A_102 = arith.constant 3.000000e+38 : f32
    %broadcast_in_dim3A_103 = vector.broadcast %jit3A_102 : f32 to vector<256x1024xf32>
    %select_n3A_104 = arith.select %le3A_101, %convert_element_type3A, %broadcast_in_dim3A_103 : vector<256x1024xi1>, vector<256x1024xf32>
    %reduce_min3A_105 = arith.constant dense<0x7F800000> : vector<256xf32>
    %reduce_min3A_106 = vector.multi_reduction <minimumf>, %select_n3A_104, %reduce_min3A_105 [1] : vector<256x1024xf32> to vector<256xf32>
    %squeeze3A_107 = vector.shape_cast %broadcast_in_dim3A_99 : vector<256x1xf32> to vector<256xf32>
    %le3A_108 = arith.constant 2.560000e+00 : f32
    %le3A_109 = vector.broadcast %le3A_108 : f32 to vector<256xf32>
    %le3A_110 = arith.cmpf ole, %squeeze3A_107, %le3A_109 : vector<256xf32>
    %select_n3A_111 = arith.select %le3A_110, %reduce_min3A_106, %reduce_min3A_25 : vector<256xi1>, vector<256xf32>
    %broadcast_in_dim3A_112 = vector.shape_cast %select_n3A_111 : vector<256xf32> to vector<256x1xf32>
    %broadcast_in_dim3A_113 = vector.shape_cast %reduce_min3A_106 : vector<256xf32> to vector<256x1xf32>
    %eq3A_114 = vector.broadcast %broadcast_in_dim3A_113 : vector<256x1xf32> to vector<256x1024xf32>
    %eq3A_115 = arith.cmpf oeq, %convert_element_type3A, %eq3A_114 : vector<256x1024xf32>
    %jit3A_116 = arith.constant 3.000000e+38 : f32
    %broadcast_in_dim3A_117 = vector.broadcast %jit3A_116 : f32 to vector<256x1024xf32>
    %select_n3A_118 = arith.select %eq3A_115, %broadcast_in_dim3A_117, %select_n3A_96 : vector<256x1024xi1>, vector<256x1024xf32>
    %reduce_min3A_119 = arith.constant dense<0x7F800000> : vector<256xf32>
    %reduce_min3A_120 = vector.multi_reduction <minimumf>, %select_n3A_118, %reduce_min3A_119 [1] : vector<256x1024xf32> to vector<256xf32>
    %broadcast_in_dim3A_121 = vector.shape_cast %reduce_min3A_120 : vector<256xf32> to vector<256x1xf32>
    %le3A_122 = vector.broadcast %broadcast_in_dim3A_121 : vector<256x1xf32> to vector<256x1024xf32>
    %le3A_123 = arith.cmpf ole, %select_n3A_118, %le3A_122 : vector<256x1024xf32>
    %jit3A_124 = arith.constant 3.000000e+38 : f32
    %broadcast_in_dim3A_125 = vector.broadcast %jit3A_124 : f32 to vector<256x1024xf32>
    %select_n3A_126 = arith.select %le3A_123, %convert_element_type3A, %broadcast_in_dim3A_125 : vector<256x1024xi1>, vector<256x1024xf32>
    %reduce_min3A_127 = arith.constant dense<0x7F800000> : vector<256xf32>
    %reduce_min3A_128 = vector.multi_reduction <minimumf>, %select_n3A_126, %reduce_min3A_127 [1] : vector<256x1024xf32> to vector<256xf32>
    %squeeze3A_129 = vector.shape_cast %broadcast_in_dim3A_121 : vector<256x1xf32> to vector<256xf32>
    %le3A_130 = arith.constant 2.560000e+00 : f32
    %le3A_131 = vector.broadcast %le3A_130 : f32 to vector<256xf32>
    %le3A_132 = arith.cmpf ole, %squeeze3A_129, %le3A_131 : vector<256xf32>
    %select_n3A_133 = arith.select %le3A_132, %reduce_min3A_128, %reduce_min3A_25 : vector<256xi1>, vector<256xf32>
    %broadcast_in_dim3A_134 = vector.shape_cast %select_n3A_133 : vector<256xf32> to vector<256x1xf32>
    %broadcast_in_dim3A_135 = vector.shape_cast %reduce_min3A_128 : vector<256xf32> to vector<256x1xf32>
    %eq3A_136 = vector.broadcast %broadcast_in_dim3A_135 : vector<256x1xf32> to vector<256x1024xf32>
    %eq3A_137 = arith.cmpf oeq, %convert_element_type3A, %eq3A_136 : vector<256x1024xf32>
    %jit3A_138 = arith.constant 3.000000e+38 : f32
    %broadcast_in_dim3A_139 = vector.broadcast %jit3A_138 : f32 to vector<256x1024xf32>
    %select_n3A_140 = arith.select %eq3A_137, %broadcast_in_dim3A_139, %select_n3A_118 : vector<256x1024xi1>, vector<256x1024xf32>
    %reduce_min3A_141 = arith.constant dense<0x7F800000> : vector<256xf32>
    %reduce_min3A_142 = vector.multi_reduction <minimumf>, %select_n3A_140, %reduce_min3A_141 [1] : vector<256x1024xf32> to vector<256xf32>
    %broadcast_in_dim3A_143 = vector.shape_cast %reduce_min3A_142 : vector<256xf32> to vector<256x1xf32>
    %le3A_144 = vector.broadcast %broadcast_in_dim3A_143 : vector<256x1xf32> to vector<256x1024xf32>
    %le3A_145 = arith.cmpf ole, %select_n3A_140, %le3A_144 : vector<256x1024xf32>
    %jit3A_146 = arith.constant 3.000000e+38 : f32
    %broadcast_in_dim3A_147 = vector.broadcast %jit3A_146 : f32 to vector<256x1024xf32>
    %select_n3A_148 = arith.select %le3A_145, %convert_element_type3A, %broadcast_in_dim3A_147 : vector<256x1024xi1>, vector<256x1024xf32>
    %reduce_min3A_149 = arith.constant dense<0x7F800000> : vector<256xf32>
    %reduce_min3A_150 = vector.multi_reduction <minimumf>, %select_n3A_148, %reduce_min3A_149 [1] : vector<256x1024xf32> to vector<256xf32>
    %squeeze3A_151 = vector.shape_cast %broadcast_in_dim3A_143 : vector<256x1xf32> to vector<256xf32>
    %le3A_152 = arith.constant 2.560000e+00 : f32
    %le3A_153 = vector.broadcast %le3A_152 : f32 to vector<256xf32>
    %le3A_154 = arith.cmpf ole, %squeeze3A_151, %le3A_153 : vector<256xf32>
    %select_n3A_155 = arith.select %le3A_154, %reduce_min3A_150, %reduce_min3A_25 : vector<256xi1>, vector<256xf32>
    %broadcast_in_dim3A_156 = vector.shape_cast %select_n3A_155 : vector<256xf32> to vector<256x1xf32>
    %broadcast_in_dim3A_157 = vector.shape_cast %reduce_min3A_150 : vector<256xf32> to vector<256x1xf32>
    %eq3A_158 = vector.broadcast %broadcast_in_dim3A_157 : vector<256x1xf32> to vector<256x1024xf32>
    %eq3A_159 = arith.cmpf oeq, %convert_element_type3A, %eq3A_158 : vector<256x1024xf32>
    %jit3A_160 = arith.constant 3.000000e+38 : f32
    %broadcast_in_dim3A_161 = vector.broadcast %jit3A_160 : f32 to vector<256x1024xf32>
    %select_n3A_162 = arith.select %eq3A_159, %broadcast_in_dim3A_161, %select_n3A_140 : vector<256x1024xi1>, vector<256x1024xf32>
    %reduce_min3A_163 = arith.constant dense<0x7F800000> : vector<256xf32>
    %reduce_min3A_164 = vector.multi_reduction <minimumf>, %select_n3A_162, %reduce_min3A_163 [1] : vector<256x1024xf32> to vector<256xf32>
    %broadcast_in_dim3A_165 = vector.shape_cast %reduce_min3A_164 : vector<256xf32> to vector<256x1xf32>
    %le3A_166 = vector.broadcast %broadcast_in_dim3A_165 : vector<256x1xf32> to vector<256x1024xf32>
    %le3A_167 = arith.cmpf ole, %select_n3A_162, %le3A_166 : vector<256x1024xf32>
    %jit3A_168 = arith.constant 3.000000e+38 : f32
    %broadcast_in_dim3A_169 = vector.broadcast %jit3A_168 : f32 to vector<256x1024xf32>
    %select_n3A_170 = arith.select %le3A_167, %convert_element_type3A, %broadcast_in_dim3A_169 : vector<256x1024xi1>, vector<256x1024xf32>
    %reduce_min3A_171 = arith.constant dense<0x7F800000> : vector<256xf32>
    %reduce_min3A_172 = vector.multi_reduction <minimumf>, %select_n3A_170, %reduce_min3A_171 [1] : vector<256x1024xf32> to vector<256xf32>
    %squeeze3A_173 = vector.shape_cast %broadcast_in_dim3A_165 : vector<256x1xf32> to vector<256xf32>
    %le3A_174 = arith.constant 2.560000e+00 : f32
    %le3A_175 = vector.broadcast %le3A_174 : f32 to vector<256xf32>
    %le3A_176 = arith.cmpf ole, %squeeze3A_173, %le3A_175 : vector<256xf32>
    %select_n3A_177 = arith.select %le3A_176, %reduce_min3A_172, %reduce_min3A_25 : vector<256xi1>, vector<256xf32>
    %broadcast_in_dim3A_178 = vector.shape_cast %select_n3A_177 : vector<256xf32> to vector<256x1xf32>
    %broadcast_in_dim3A_179 = vector.shape_cast %reduce_min3A_172 : vector<256xf32> to vector<256x1xf32>
    %eq3A_180 = vector.broadcast %broadcast_in_dim3A_179 : vector<256x1xf32> to vector<256x1024xf32>
    %eq3A_181 = arith.cmpf oeq, %convert_element_type3A, %eq3A_180 : vector<256x1024xf32>
    %jit3A_182 = arith.constant 3.000000e+38 : f32
    %broadcast_in_dim3A_183 = vector.broadcast %jit3A_182 : f32 to vector<256x1024xf32>
    %select_n3A_184 = arith.select %eq3A_181, %broadcast_in_dim3A_183, %select_n3A_162 : vector<256x1024xi1>, vector<256x1024xf32>
    %reduce_min3A_185 = arith.constant dense<0x7F800000> : vector<256xf32>
    %reduce_min3A_186 = vector.multi_reduction <minimumf>, %select_n3A_184, %reduce_min3A_185 [1] : vector<256x1024xf32> to vector<256xf32>
    %broadcast_in_dim3A_187 = vector.shape_cast %reduce_min3A_186 : vector<256xf32> to vector<256x1xf32>
    %le3A_188 = vector.broadcast %broadcast_in_dim3A_187 : vector<256x1xf32> to vector<256x1024xf32>
    %le3A_189 = arith.cmpf ole, %select_n3A_184, %le3A_188 : vector<256x1024xf32>
    %jit3A_190 = arith.constant 3.000000e+38 : f32
    %broadcast_in_dim3A_191 = vector.broadcast %jit3A_190 : f32 to vector<256x1024xf32>
    %select_n3A_192 = arith.select %le3A_189, %convert_element_type3A, %broadcast_in_dim3A_191 : vector<256x1024xi1>, vector<256x1024xf32>
    %reduce_min3A_193 = arith.constant dense<0x7F800000> : vector<256xf32>
    %reduce_min3A_194 = vector.multi_reduction <minimumf>, %select_n3A_192, %reduce_min3A_193 [1] : vector<256x1024xf32> to vector<256xf32>
    %squeeze3A_195 = vector.shape_cast %broadcast_in_dim3A_187 : vector<256x1xf32> to vector<256xf32>
    %le3A_196 = arith.constant 2.560000e+00 : f32
    %le3A_197 = vector.broadcast %le3A_196 : f32 to vector<256xf32>
    %le3A_198 = arith.cmpf ole, %squeeze3A_195, %le3A_197 : vector<256xf32>
    %select_n3A_199 = arith.select %le3A_198, %reduce_min3A_194, %reduce_min3A_25 : vector<256xi1>, vector<256xf32>
    %broadcast_in_dim3A_200 = vector.shape_cast %select_n3A_199 : vector<256xf32> to vector<256x1xf32>
    %broadcast_in_dim3A_201 = vector.shape_cast %reduce_min3A_194 : vector<256xf32> to vector<256x1xf32>
    %eq3A_202 = vector.broadcast %broadcast_in_dim3A_201 : vector<256x1xf32> to vector<256x1024xf32>
    %eq3A_203 = arith.cmpf oeq, %convert_element_type3A, %eq3A_202 : vector<256x1024xf32>
    %jit3A_204 = arith.constant 3.000000e+38 : f32
    %broadcast_in_dim3A_205 = vector.broadcast %jit3A_204 : f32 to vector<256x1024xf32>
    %select_n3A_206 = arith.select %eq3A_203, %broadcast_in_dim3A_205, %select_n3A_184 : vector<256x1024xi1>, vector<256x1024xf32>
    %reduce_min3A_207 = arith.constant dense<0x7F800000> : vector<256xf32>
    %reduce_min3A_208 = vector.multi_reduction <minimumf>, %select_n3A_206, %reduce_min3A_207 [1] : vector<256x1024xf32> to vector<256xf32>
    %broadcast_in_dim3A_209 = vector.shape_cast %reduce_min3A_208 : vector<256xf32> to vector<256x1xf32>
    %le3A_210 = vector.broadcast %broadcast_in_dim3A_209 : vector<256x1xf32> to vector<256x1024xf32>
    %le3A_211 = arith.cmpf ole, %select_n3A_206, %le3A_210 : vector<256x1024xf32>
    %jit3A_212 = arith.constant 3.000000e+38 : f32
    %broadcast_in_dim3A_213 = vector.broadcast %jit3A_212 : f32 to vector<256x1024xf32>
    %select_n3A_214 = arith.select %le3A_211, %convert_element_type3A, %broadcast_in_dim3A_213 : vector<256x1024xi1>, vector<256x1024xf32>
    %reduce_min3A_215 = arith.constant dense<0x7F800000> : vector<256xf32>
    %reduce_min3A_216 = vector.multi_reduction <minimumf>, %select_n3A_214, %reduce_min3A_215 [1] : vector<256x1024xf32> to vector<256xf32>
    %squeeze3A_217 = vector.shape_cast %broadcast_in_dim3A_209 : vector<256x1xf32> to vector<256xf32>
    %le3A_218 = arith.constant 2.560000e+00 : f32
    %le3A_219 = vector.broadcast %le3A_218 : f32 to vector<256xf32>
    %le3A_220 = arith.cmpf ole, %squeeze3A_217, %le3A_219 : vector<256xf32>
    %select_n3A_221 = arith.select %le3A_220, %reduce_min3A_216, %reduce_min3A_25 : vector<256xi1>, vector<256xf32>
    %broadcast_in_dim3A_222 = vector.shape_cast %select_n3A_221 : vector<256xf32> to vector<256x1xf32>
    %broadcast_in_dim3A_223 = vector.shape_cast %reduce_min3A_216 : vector<256xf32> to vector<256x1xf32>
    %eq3A_224 = vector.broadcast %broadcast_in_dim3A_223 : vector<256x1xf32> to vector<256x1024xf32>
    %eq3A_225 = arith.cmpf oeq, %convert_element_type3A, %eq3A_224 : vector<256x1024xf32>
    %jit3A_226 = arith.constant 3.000000e+38 : f32
    %broadcast_in_dim3A_227 = vector.broadcast %jit3A_226 : f32 to vector<256x1024xf32>
    %select_n3A_228 = arith.select %eq3A_225, %broadcast_in_dim3A_227, %select_n3A_206 : vector<256x1024xi1>, vector<256x1024xf32>
    %reduce_min3A_229 = arith.constant dense<0x7F800000> : vector<256xf32>
    %reduce_min3A_230 = vector.multi_reduction <minimumf>, %select_n3A_228, %reduce_min3A_229 [1] : vector<256x1024xf32> to vector<256xf32>
    %broadcast_in_dim3A_231 = vector.shape_cast %reduce_min3A_230 : vector<256xf32> to vector<256x1xf32>
    %le3A_232 = vector.broadcast %broadcast_in_dim3A_231 : vector<256x1xf32> to vector<256x1024xf32>
    %le3A_233 = arith.cmpf ole, %select_n3A_228, %le3A_232 : vector<256x1024xf32>
    %jit3A_234 = arith.constant 3.000000e+38 : f32
    %broadcast_in_dim3A_235 = vector.broadcast %jit3A_234 : f32 to vector<256x1024xf32>
    %select_n3A_236 = arith.select %le3A_233, %convert_element_type3A, %broadcast_in_dim3A_235 : vector<256x1024xi1>, vector<256x1024xf32>
    %reduce_min3A_237 = arith.constant dense<0x7F800000> : vector<256xf32>
    %reduce_min3A_238 = vector.multi_reduction <minimumf>, %select_n3A_236, %reduce_min3A_237 [1] : vector<256x1024xf32> to vector<256xf32>
    %squeeze3A_239 = vector.shape_cast %broadcast_in_dim3A_231 : vector<256x1xf32> to vector<256xf32>
    %le3A_240 = arith.constant 2.560000e+00 : f32
    %le3A_241 = vector.broadcast %le3A_240 : f32 to vector<256xf32>
    %le3A_242 = arith.cmpf ole, %squeeze3A_239, %le3A_241 : vector<256xf32>
    %select_n3A_243 = arith.select %le3A_242, %reduce_min3A_238, %reduce_min3A_25 : vector<256xi1>, vector<256xf32>
    %broadcast_in_dim3A_244 = vector.shape_cast %select_n3A_243 : vector<256xf32> to vector<256x1xf32>
    %broadcast_in_dim3A_245 = vector.shape_cast %reduce_min3A_238 : vector<256xf32> to vector<256x1xf32>
    %eq3A_246 = vector.broadcast %broadcast_in_dim3A_245 : vector<256x1xf32> to vector<256x1024xf32>
    %eq3A_247 = arith.cmpf oeq, %convert_element_type3A, %eq3A_246 : vector<256x1024xf32>
    %jit3A_248 = arith.constant 3.000000e+38 : f32
    %broadcast_in_dim3A_249 = vector.broadcast %jit3A_248 : f32 to vector<256x1024xf32>
    %select_n3A_250 = arith.select %eq3A_247, %broadcast_in_dim3A_249, %select_n3A_228 : vector<256x1024xi1>, vector<256x1024xf32>
    %reduce_min3A_251 = arith.constant dense<0x7F800000> : vector<256xf32>
    %reduce_min3A_252 = vector.multi_reduction <minimumf>, %select_n3A_250, %reduce_min3A_251 [1] : vector<256x1024xf32> to vector<256xf32>
    %broadcast_in_dim3A_253 = vector.shape_cast %reduce_min3A_252 : vector<256xf32> to vector<256x1xf32>
    %le3A_254 = vector.broadcast %broadcast_in_dim3A_253 : vector<256x1xf32> to vector<256x1024xf32>
    %le3A_255 = arith.cmpf ole, %select_n3A_250, %le3A_254 : vector<256x1024xf32>
    %jit3A_256 = arith.constant 3.000000e+38 : f32
    %broadcast_in_dim3A_257 = vector.broadcast %jit3A_256 : f32 to vector<256x1024xf32>
    %select_n3A_258 = arith.select %le3A_255, %convert_element_type3A, %broadcast_in_dim3A_257 : vector<256x1024xi1>, vector<256x1024xf32>
    %reduce_min3A_259 = arith.constant dense<0x7F800000> : vector<256xf32>
    %reduce_min3A_260 = vector.multi_reduction <minimumf>, %select_n3A_258, %reduce_min3A_259 [1] : vector<256x1024xf32> to vector<256xf32>
    %squeeze3A_261 = vector.shape_cast %broadcast_in_dim3A_253 : vector<256x1xf32> to vector<256xf32>
    %le3A_262 = arith.constant 2.560000e+00 : f32
    %le3A_263 = vector.broadcast %le3A_262 : f32 to vector<256xf32>
    %le3A_264 = arith.cmpf ole, %squeeze3A_261, %le3A_263 : vector<256xf32>
    %select_n3A_265 = arith.select %le3A_264, %reduce_min3A_260, %reduce_min3A_25 : vector<256xi1>, vector<256xf32>
    %broadcast_in_dim3A_266 = vector.shape_cast %select_n3A_265 : vector<256xf32> to vector<256x1xf32>
    %broadcast_in_dim3A_267 = vector.shape_cast %reduce_min3A_260 : vector<256xf32> to vector<256x1xf32>
    %eq3A_268 = vector.broadcast %broadcast_in_dim3A_267 : vector<256x1xf32> to vector<256x1024xf32>
    %eq3A_269 = arith.cmpf oeq, %convert_element_type3A, %eq3A_268 : vector<256x1024xf32>
    %jit3A_270 = arith.constant 3.000000e+38 : f32
    %broadcast_in_dim3A_271 = vector.broadcast %jit3A_270 : f32 to vector<256x1024xf32>
    %select_n3A_272 = arith.select %eq3A_269, %broadcast_in_dim3A_271, %select_n3A_250 : vector<256x1024xi1>, vector<256x1024xf32>
    %reduce_min3A_273 = arith.constant dense<0x7F800000> : vector<256xf32>
    %reduce_min3A_274 = vector.multi_reduction <minimumf>, %select_n3A_272, %reduce_min3A_273 [1] : vector<256x1024xf32> to vector<256xf32>
    %broadcast_in_dim3A_275 = vector.shape_cast %reduce_min3A_274 : vector<256xf32> to vector<256x1xf32>
    %le3A_276 = vector.broadcast %broadcast_in_dim3A_275 : vector<256x1xf32> to vector<256x1024xf32>
    %le3A_277 = arith.cmpf ole, %select_n3A_272, %le3A_276 : vector<256x1024xf32>
    %jit3A_278 = arith.constant 3.000000e+38 : f32
    %broadcast_in_dim3A_279 = vector.broadcast %jit3A_278 : f32 to vector<256x1024xf32>
    %select_n3A_280 = arith.select %le3A_277, %convert_element_type3A, %broadcast_in_dim3A_279 : vector<256x1024xi1>, vector<256x1024xf32>
    %reduce_min3A_281 = arith.constant dense<0x7F800000> : vector<256xf32>
    %reduce_min3A_282 = vector.multi_reduction <minimumf>, %select_n3A_280, %reduce_min3A_281 [1] : vector<256x1024xf32> to vector<256xf32>
    %squeeze3A_283 = vector.shape_cast %broadcast_in_dim3A_275 : vector<256x1xf32> to vector<256xf32>
    %le3A_284 = arith.constant 2.560000e+00 : f32
    %le3A_285 = vector.broadcast %le3A_284 : f32 to vector<256xf32>
    %le3A_286 = arith.cmpf ole, %squeeze3A_283, %le3A_285 : vector<256xf32>
    %select_n3A_287 = arith.select %le3A_286, %reduce_min3A_282, %reduce_min3A_25 : vector<256xi1>, vector<256xf32>
    %broadcast_in_dim3A_288 = vector.shape_cast %select_n3A_287 : vector<256xf32> to vector<256x1xf32>
    %broadcast_in_dim3A_289 = vector.shape_cast %reduce_min3A_282 : vector<256xf32> to vector<256x1xf32>
    %eq3A_290 = vector.broadcast %broadcast_in_dim3A_289 : vector<256x1xf32> to vector<256x1024xf32>
    %eq3A_291 = arith.cmpf oeq, %convert_element_type3A, %eq3A_290 : vector<256x1024xf32>
    %jit3A_292 = arith.constant 3.000000e+38 : f32
    %broadcast_in_dim3A_293 = vector.broadcast %jit3A_292 : f32 to vector<256x1024xf32>
    %select_n3A_294 = arith.select %eq3A_291, %broadcast_in_dim3A_293, %select_n3A_272 : vector<256x1024xi1>, vector<256x1024xf32>
    %reduce_min3A_295 = arith.constant dense<0x7F800000> : vector<256xf32>
    %reduce_min3A_296 = vector.multi_reduction <minimumf>, %select_n3A_294, %reduce_min3A_295 [1] : vector<256x1024xf32> to vector<256xf32>
    %broadcast_in_dim3A_297 = vector.shape_cast %reduce_min3A_296 : vector<256xf32> to vector<256x1xf32>
    %le3A_298 = vector.broadcast %broadcast_in_dim3A_297 : vector<256x1xf32> to vector<256x1024xf32>
    %le3A_299 = arith.cmpf ole, %select_n3A_294, %le3A_298 : vector<256x1024xf32>
    %jit3A_300 = arith.constant 3.000000e+38 : f32
    %broadcast_in_dim3A_301 = vector.broadcast %jit3A_300 : f32 to vector<256x1024xf32>
    %select_n3A_302 = arith.select %le3A_299, %convert_element_type3A, %broadcast_in_dim3A_301 : vector<256x1024xi1>, vector<256x1024xf32>
    %reduce_min3A_303 = arith.constant dense<0x7F800000> : vector<256xf32>
    %reduce_min3A_304 = vector.multi_reduction <minimumf>, %select_n3A_302, %reduce_min3A_303 [1] : vector<256x1024xf32> to vector<256xf32>
    %squeeze3A_305 = vector.shape_cast %broadcast_in_dim3A_297 : vector<256x1xf32> to vector<256xf32>
    %le3A_306 = arith.constant 2.560000e+00 : f32
    %le3A_307 = vector.broadcast %le3A_306 : f32 to vector<256xf32>
    %le3A_308 = arith.cmpf ole, %squeeze3A_305, %le3A_307 : vector<256xf32>
    %select_n3A_309 = arith.select %le3A_308, %reduce_min3A_304, %reduce_min3A_25 : vector<256xi1>, vector<256xf32>
    %broadcast_in_dim3A_310 = vector.shape_cast %select_n3A_309 : vector<256xf32> to vector<256x1xf32>
    %broadcast_in_dim3A_311 = vector.shape_cast %reduce_min3A_304 : vector<256xf32> to vector<256x1xf32>
    %eq3A_312 = vector.broadcast %broadcast_in_dim3A_311 : vector<256x1xf32> to vector<256x1024xf32>
    %eq3A_313 = arith.cmpf oeq, %convert_element_type3A, %eq3A_312 : vector<256x1024xf32>
    %jit3A_314 = arith.constant 3.000000e+38 : f32
    %broadcast_in_dim3A_315 = vector.broadcast %jit3A_314 : f32 to vector<256x1024xf32>
    %select_n3A_316 = arith.select %eq3A_313, %broadcast_in_dim3A_315, %select_n3A_294 : vector<256x1024xi1>, vector<256x1024xf32>
    %reduce_min3A_317 = arith.constant dense<0x7F800000> : vector<256xf32>
    %reduce_min3A_318 = vector.multi_reduction <minimumf>, %select_n3A_316, %reduce_min3A_317 [1] : vector<256x1024xf32> to vector<256xf32>
    %broadcast_in_dim3A_319 = vector.shape_cast %reduce_min3A_318 : vector<256xf32> to vector<256x1xf32>
    %le3A_320 = vector.broadcast %broadcast_in_dim3A_319 : vector<256x1xf32> to vector<256x1024xf32>
    %le3A_321 = arith.cmpf ole, %select_n3A_316, %le3A_320 : vector<256x1024xf32>
    %jit3A_322 = arith.constant 3.000000e+38 : f32
    %broadcast_in_dim3A_323 = vector.broadcast %jit3A_322 : f32 to vector<256x1024xf32>
    %select_n3A_324 = arith.select %le3A_321, %convert_element_type3A, %broadcast_in_dim3A_323 : vector<256x1024xi1>, vector<256x1024xf32>
    %reduce_min3A_325 = arith.constant dense<0x7F800000> : vector<256xf32>
    %reduce_min3A_326 = vector.multi_reduction <minimumf>, %select_n3A_324, %reduce_min3A_325 [1] : vector<256x1024xf32> to vector<256xf32>
    %squeeze3A_327 = vector.shape_cast %broadcast_in_dim3A_319 : vector<256x1xf32> to vector<256xf32>
    %le3A_328 = arith.constant 2.560000e+00 : f32
    %le3A_329 = vector.broadcast %le3A_328 : f32 to vector<256xf32>
    %le3A_330 = arith.cmpf ole, %squeeze3A_327, %le3A_329 : vector<256xf32>
    %select_n3A_331 = arith.select %le3A_330, %reduce_min3A_326, %reduce_min3A_25 : vector<256xi1>, vector<256xf32>
    %broadcast_in_dim3A_332 = vector.shape_cast %select_n3A_331 : vector<256xf32> to vector<256x1xf32>
    %broadcast_in_dim3A_333 = vector.shape_cast %reduce_min3A_326 : vector<256xf32> to vector<256x1xf32>
    %eq3A_334 = vector.broadcast %broadcast_in_dim3A_333 : vector<256x1xf32> to vector<256x1024xf32>
    %eq3A_335 = arith.cmpf oeq, %convert_element_type3A, %eq3A_334 : vector<256x1024xf32>
    %jit3A_336 = arith.constant 3.000000e+38 : f32
    %broadcast_in_dim3A_337 = vector.broadcast %jit3A_336 : f32 to vector<256x1024xf32>
    %select_n3A_338 = arith.select %eq3A_335, %broadcast_in_dim3A_337, %select_n3A_316 : vector<256x1024xi1>, vector<256x1024xf32>
    %reduce_min3A_339 = arith.constant dense<0x7F800000> : vector<256xf32>
    %reduce_min3A_340 = vector.multi_reduction <minimumf>, %select_n3A_338, %reduce_min3A_339 [1] : vector<256x1024xf32> to vector<256xf32>
    %broadcast_in_dim3A_341 = vector.shape_cast %reduce_min3A_340 : vector<256xf32> to vector<256x1xf32>
    %le3A_342 = vector.broadcast %broadcast_in_dim3A_341 : vector<256x1xf32> to vector<256x1024xf32>
    %le3A_343 = arith.cmpf ole, %select_n3A_338, %le3A_342 : vector<256x1024xf32>
    %jit3A_344 = arith.constant 3.000000e+38 : f32
    %broadcast_in_dim3A_345 = vector.broadcast %jit3A_344 : f32 to vector<256x1024xf32>
    %select_n3A_346 = arith.select %le3A_343, %convert_element_type3A, %broadcast_in_dim3A_345 : vector<256x1024xi1>, vector<256x1024xf32>
    %reduce_min3A_347 = arith.constant dense<0x7F800000> : vector<256xf32>
    %reduce_min3A_348 = vector.multi_reduction <minimumf>, %select_n3A_346, %reduce_min3A_347 [1] : vector<256x1024xf32> to vector<256xf32>
    %squeeze3A_349 = vector.shape_cast %broadcast_in_dim3A_341 : vector<256x1xf32> to vector<256xf32>
    %le3A_350 = arith.constant 2.560000e+00 : f32
    %le3A_351 = vector.broadcast %le3A_350 : f32 to vector<256xf32>
    %le3A_352 = arith.cmpf ole, %squeeze3A_349, %le3A_351 : vector<256xf32>
    %select_n3A_353 = arith.select %le3A_352, %reduce_min3A_348, %reduce_min3A_25 : vector<256xi1>, vector<256xf32>
    %broadcast_in_dim3A_354 = vector.shape_cast %select_n3A_353 : vector<256xf32> to vector<256x1xf32>
    %concatenate3A = tpu.concatenate %broadcast_in_dim3A_26, %broadcast_in_dim3A_46, %broadcast_in_dim3A_68, %broadcast_in_dim3A_90, %broadcast_in_dim3A_112, %broadcast_in_dim3A_134, %broadcast_in_dim3A_156, %broadcast_in_dim3A_178, %broadcast_in_dim3A_200, %broadcast_in_dim3A_222, %broadcast_in_dim3A_244, %broadcast_in_dim3A_266, %broadcast_in_dim3A_288, %broadcast_in_dim3A_310, %broadcast_in_dim3A_332, %broadcast_in_dim3A_354 in 1 : vector<256x1xf32>, vector<256x1xf32>, vector<256x1xf32>, vector<256x1xf32>, vector<256x1xf32>, vector<256x1xf32>, vector<256x1xf32>, vector<256x1xf32>, vector<256x1xf32>, vector<256x1xf32>, vector<256x1xf32>, vector<256x1xf32>, vector<256x1xf32>, vector<256x1xf32>, vector<256x1xf32>, vector<256x1xf32> -> vector<256x16xf32>
    %convert_element_type3A_355 = arith.fptosi %concatenate3A : vector<256x16xf32> to vector<256x16xi32>
    %mul3A_356 = arith.constant 1024 : i32
    %mul3A_357 = arith.muli %arg0, %mul3A_356 : i32
    %add3A_358 = vector.broadcast %mul3A_357 : i32 to vector<256x16xi32>
    %add3A_359 = arith.addi %convert_element_type3A_355, %add3A_358 : vector<256x16xi32>
    %swap3A = arith.constant 0 : index
    %swap3A_360 = arith.constant 0 : index
    %swap3A_361 = arith.constant 0 : index
    %swap3A_362 = vector.load %arg4[%swap3A, %swap3A_360, %swap3A_361] : memref<1x256x16xi32, #tpu.memory_space<vmem>>, vector<1x256x16xi32>
    %swap3A_363 = vector.shape_cast %swap3A_362 : vector<1x256x16xi32> to vector<256x16xi32>
    %swap3A_364 = vector.shape_cast %add3A_359 : vector<256x16xi32> to vector<1x256x16xi32>
    tpu.vector_store %arg4[%swap3A, %swap3A_360, %swap3A_361], %swap3A_364 {strides = array<i32>} : memref<1x256x16xi32, #tpu.memory_space<vmem>>, vector<1x256x16xi32>,
    return
  }
  func.func @transform_0(%arg0: i32, %arg1: i32) -> (i32, i32, i32) {
    %c0_i32 = arith.constant 0 : i32
    %c0_i32_0 = arith.constant 0 : i32
    return %arg0, %arg1, %c0_i32 : i32, i32, i32
  }
  func.func @transform_1(%arg0: i32, %arg1: i32) -> (i32, i32, i32) {
    %c0_i32 = arith.constant 0 : i32
    %c0_i32_0 = arith.constant 0 : i32
    %c0_i32_1 = arith.constant 0 : i32
    return %arg0, %c0_i32, %c0_i32_0 : i32, i32, i32
  }
  func.func @transform_2(%arg0: i32, %arg1: i32) -> (i32, i32, i32) {
    %c0_i32 = arith.constant 0 : i32
    %c0_i32_0 = arith.constant 0 : i32
    return %arg0, %arg1, %c0_i32 : i32, i32, i32
  }
}

module attributes {stable_mosaic.version = 14 : i64} {
  func.func @kern(%arg0: i32, %arg1: memref<16384x16xf32, #tpu.memory_space<vmem>>, %arg2: memref<1024x3xf32, #tpu.memory_space<vmem>>, %arg3: memref<4x16xf32, #tpu.memory_space<vmem>>, %arg4: memref<1x16xf32, #tpu.memory_space<vmem>>, %arg5: memref<16x32xf32, #tpu.memory_space<vmem>>, %arg6: memref<1x32xf32, #tpu.memory_space<vmem>>, %arg7: memref<1024x48xf32, #tpu.memory_space<vmem>>) attributes {dimension_semantics = [#tpu.dimension_semantics<parallel>], iteration_bounds = array<i64: 4>, scalar_prefetch = 0 : i64, scratch_operands = 0 : i64, tpu.core_type = #tpu.core_type<tc>, window_params = [{transform_indices = @transform_0, window_bounds = array<i64: 16384, 16>}, {transform_indices = @transform_1, window_bounds = array<i64: 1024, 3>}, {pipeline_mode = #tpu.pipeline_mode<synchronous>, transform_indices = @transform_2, window_bounds = array<i64: 4, 16>}, {pipeline_mode = #tpu.pipeline_mode<synchronous>, transform_indices = @transform_3, window_bounds = array<i64: 1, 16>}, {pipeline_mode = #tpu.pipeline_mode<synchronous>, transform_indices = @transform_4, window_bounds = array<i64: 16, 32>}, {pipeline_mode = #tpu.pipeline_mode<synchronous>, transform_indices = @transform_5, window_bounds = array<i64: 1, 32>}, {transform_indices = @transform_6, window_bounds = array<i64: 1024, 48>}]} {
    %get3A = arith.constant 0 : index
    %get3A_0 = arith.constant 0 : index
    %get3A_1 = vector.load %arg1[%get3A, %get3A_0] : memref<16384x16xf32, #tpu.memory_space<vmem>>, vector<16384x16xf32>
    %get3A_2 = arith.constant 0 : index
    %get3A_3 = arith.constant 0 : index
    %get3A_4 = vector.load %arg2[%get3A_2, %get3A_3] : memref<1024x3xf32, #tpu.memory_space<vmem>>, vector<1024x3xf32>
    %broadcast_in_dim3A = vector.shape_cast %get3A_4 : vector<1024x3xf32> to vector<1024x1x3xf32>
    %broadcast_in_dim3A_5 = vector.shape_cast %broadcast_in_dim3A : vector<1024x1x3xf32> to vector<1024x1x3xf32>
    %broadcast_in_dim3A_6 = vector.broadcast %broadcast_in_dim3A_5 : vector<1024x1x3xf32> to vector<1024x16x3xf32>
    %reshape3A = vector.shape_cast %broadcast_in_dim3A_6 : vector<1024x16x3xf32> to vector<16384x3xf32>
    %slice3A = vector.extract_strided_slice %get3A_1 {offsets = [0, 0], sizes = [16384, 3], strides = [1, 1]} : vector<16384x16xf32> to vector<16384x3xf32>
    %sub3A = arith.subf %slice3A, %reshape3A : vector<16384x3xf32>
    %slice3A_7 = vector.extract_strided_slice %get3A_1 {offsets = [0, 3], sizes = [16384, 1], strides = [1, 1]} : vector<16384x16xf32> to vector<16384x1xf32>
    %concatenate3A = tpu.concatenate %sub3A, %slice3A_7 in 1 : vector<16384x3xf32>, vector<16384x1xf32> -> vector<16384x4xf32>
    %get3A_8 = arith.constant 0 : index
    %get3A_9 = arith.constant 0 : index
    %get3A_10 = vector.load %arg3[%get3A_8, %get3A_9] : memref<4x16xf32, #tpu.memory_space<vmem>>, vector<4x16xf32>
    %dot_general3A = arith.constant dense<0.000000e+00> : vector<16384x16xf32>
    %dot_general3A_11 = tpu.matmul %concatenate3A, %get3A_10, %dot_general3A {dimension_numbers = #tpu.dot_dimension_numbers<[1], [0], [0], [1], [0, 0, 1, 1], [], []>, transpose_lhs_hint = false} : vector<16384x4xf32>, vector<4x16xf32>, vector<16384x16xf32> -> vector<16384x16xf32>
    %get3A_12 = arith.constant 0 : index
    %get3A_13 = arith.constant 0 : index
    %get3A_14 = vector.load %arg4[%get3A_12, %get3A_13] : memref<1x16xf32, #tpu.memory_space<vmem>>, vector<1x16xf32>
    %add3A = vector.broadcast %get3A_14 : vector<1x16xf32> to vector<16384x16xf32>
    %add3A_15 = arith.addf %dot_general3A_11, %add3A : vector<16384x16xf32>
    %max3A = arith.constant 0.000000e+00 : f32
    %max3A_16 = vector.broadcast %max3A : f32 to vector<16384x16xf32>
    %max3A_17 = arith.maximumf %add3A_15, %max3A_16 : vector<16384x16xf32>
    %get3A_18 = arith.constant 0 : index
    %get3A_19 = arith.constant 0 : index
    %get3A_20 = vector.load %arg5[%get3A_18, %get3A_19] : memref<16x32xf32, #tpu.memory_space<vmem>>, vector<16x32xf32>
    %dot_general3A_21 = arith.constant dense<0.000000e+00> : vector<16384x32xf32>
    %dot_general3A_22 = tpu.matmul %max3A_17, %get3A_20, %dot_general3A_21 {dimension_numbers = #tpu.dot_dimension_numbers<[1], [0], [0], [1], [0, 0, 1, 1], [], []>, transpose_lhs_hint = false} : vector<16384x16xf32>, vector<16x32xf32>, vector<16384x32xf32> -> vector<16384x32xf32>
    %get3A_23 = arith.constant 0 : index
    %get3A_24 = arith.constant 0 : index
    %get3A_25 = vector.load %arg6[%get3A_23, %get3A_24] : memref<1x32xf32, #tpu.memory_space<vmem>>, vector<1x32xf32>
    %add3A_26 = vector.broadcast %get3A_25 : vector<1x32xf32> to vector<16384x32xf32>
    %add3A_27 = arith.addf %dot_general3A_22, %add3A_26 : vector<16384x32xf32>
    %max3A_28 = arith.constant 0.000000e+00 : f32
    %max3A_29 = vector.broadcast %max3A_28 : f32 to vector<16384x32xf32>
    %max3A_30 = arith.maximumf %add3A_27, %max3A_29 : vector<16384x32xf32>
    %reshape3A_31 = vector.shape_cast %max3A_30 : vector<16384x32xf32> to vector<1024x16x32xf32>
    %reduce_max3A = arith.constant dense<0xFF800000> : vector<1024x32xf32>
    %reduce_max3A_32 = vector.multi_reduction <maximumf>, %reshape3A_31, %reduce_max3A [1] : vector<1024x16x32xf32> to vector<1024x32xf32>
    %broadcast_in_dim3A_33 = arith.constant 0.000000e+00 : f32
    %broadcast_in_dim3A_34 = vector.broadcast %broadcast_in_dim3A_33 : f32 to vector<1024x13xf32>
    %concatenate3A_35 = tpu.concatenate %get3A_4, %reduce_max3A_32, %broadcast_in_dim3A_34 in 1 : vector<1024x3xf32>, vector<1024x32xf32>, vector<1024x13xf32> -> vector<1024x48xf32>
    %swap3A = arith.constant 0 : index
    %swap3A_36 = arith.constant 0 : index
    %swap3A_37 = vector.load %arg7[%swap3A, %swap3A_36] : memref<1024x48xf32, #tpu.memory_space<vmem>>, vector<1024x48xf32>
    tpu.vector_store %arg7[%swap3A, %swap3A_36], %concatenate3A_35 {strides = array<i32>} : memref<1024x48xf32, #tpu.memory_space<vmem>>, vector<1024x48xf32>,
    return
  }
  func.func @transform_0(%arg0: i32) -> (i32, i32) {
    %c0_i32 = arith.constant 0 : i32
    %c0_i32_0 = arith.constant 0 : i32
    return %arg0, %c0_i32 : i32, i32
  }
  func.func @transform_1(%arg0: i32) -> (i32, i32) {
    %c0_i32 = arith.constant 0 : i32
    %c0_i32_0 = arith.constant 0 : i32
    return %arg0, %c0_i32 : i32, i32
  }
  func.func @transform_2(%arg0: i32) -> (i32, i32) {
    %c0_i32 = arith.constant 0 : i32
    %c0_i32_0 = arith.constant 0 : i32
    %c0_i32_1 = arith.constant 0 : i32
    return %c0_i32, %c0_i32_0 : i32, i32
  }
  func.func @transform_3(%arg0: i32) -> (i32, i32) {
    %c0_i32 = arith.constant 0 : i32
    %c0_i32_0 = arith.constant 0 : i32
    %c0_i32_1 = arith.constant 0 : i32
    return %c0_i32, %c0_i32_0 : i32, i32
  }
  func.func @transform_4(%arg0: i32) -> (i32, i32) {
    %c0_i32 = arith.constant 0 : i32
    %c0_i32_0 = arith.constant 0 : i32
    %c0_i32_1 = arith.constant 0 : i32
    return %c0_i32, %c0_i32_0 : i32, i32
  }
  func.func @transform_5(%arg0: i32) -> (i32, i32) {
    %c0_i32 = arith.constant 0 : i32
    %c0_i32_0 = arith.constant 0 : i32
    %c0_i32_1 = arith.constant 0 : i32
    return %c0_i32, %c0_i32_0 : i32, i32
  }
  func.func @transform_6(%arg0: i32) -> (i32, i32) {
    %c0_i32 = arith.constant 0 : i32
    %c0_i32_0 = arith.constant 0 : i32
    return %arg0, %c0_i32 : i32, i32
  }
}

module attributes {stable_mosaic.version = 14 : i64} {
  func.func @kern(%arg0: i32, %arg1: memref<8192x48xf32, #tpu.memory_space<vmem>>, %arg2: memref<512x3xf32, #tpu.memory_space<vmem>>, %arg3: memref<35x64xf32, #tpu.memory_space<vmem>>, %arg4: memref<1x64xf32, #tpu.memory_space<vmem>>, %arg5: memref<64x128xf32, #tpu.memory_space<vmem>>, %arg6: memref<1x128xf32, #tpu.memory_space<vmem>>, %arg7: memref<128x128xf32, #tpu.memory_space<vmem>>, %arg8: memref<1x128xf32, #tpu.memory_space<vmem>>, %arg9: memref<128x3xf32, #tpu.memory_space<vmem>>, %arg10: memref<1x3xf32, #tpu.memory_space<vmem>>, %arg11: memref<512x144xf32, #tpu.memory_space<vmem>>, %arg12: memref<512x3xf32, #tpu.memory_space<vmem>>, %arg13: memref<512x3xf32, #tpu.memory_space<vmem>>) attributes {dimension_semantics = [#tpu.dimension_semantics<parallel>], iteration_bounds = array<i64: 2>, scalar_prefetch = 0 : i64, scratch_operands = 0 : i64, tpu.core_type = #tpu.core_type<tc>, window_params = [{transform_indices = @transform_0, window_bounds = array<i64: 8192, 48>}, {transform_indices = @transform_1, window_bounds = array<i64: 512, 3>}, {pipeline_mode = #tpu.pipeline_mode<synchronous>, transform_indices = @transform_2, window_bounds = array<i64: 35, 64>}, {pipeline_mode = #tpu.pipeline_mode<synchronous>, transform_indices = @transform_3, window_bounds = array<i64: 1, 64>}, {pipeline_mode = #tpu.pipeline_mode<synchronous>, transform_indices = @transform_4, window_bounds = array<i64: 64, 128>}, {pipeline_mode = #tpu.pipeline_mode<synchronous>, transform_indices = @transform_5, window_bounds = array<i64: 1, 128>}, {pipeline_mode = #tpu.pipeline_mode<synchronous>, transform_indices = @transform_6, window_bounds = array<i64: 128, 128>}, {pipeline_mode = #tpu.pipeline_mode<synchronous>, transform_indices = @transform_7, window_bounds = array<i64: 1, 128>}, {pipeline_mode = #tpu.pipeline_mode<synchronous>, transform_indices = @transform_8, window_bounds = array<i64: 128, 3>}, {pipeline_mode = #tpu.pipeline_mode<synchronous>, transform_indices = @transform_9, window_bounds = array<i64: 1, 3>}, {transform_indices = @transform_10, window_bounds = array<i64: 512, 144>}, {transform_indices = @transform_11, window_bounds = array<i64: 512, 3>}, {transform_indices = @transform_12, window_bounds = array<i64: 512, 3>}]} {
    %get3A = arith.constant 0 : index
    %get3A_0 = arith.constant 0 : index
    %get3A_1 = vector.load %arg1[%get3A, %get3A_0] : memref<8192x48xf32, #tpu.memory_space<vmem>>, vector<8192x48xf32>
    %get3A_2 = arith.constant 0 : index
    %get3A_3 = arith.constant 0 : index
    %get3A_4 = vector.load %arg2[%get3A_2, %get3A_3] : memref<512x3xf32, #tpu.memory_space<vmem>>, vector<512x3xf32>
    %broadcast_in_dim3A = vector.shape_cast %get3A_4 : vector<512x3xf32> to vector<512x1x3xf32>
    %broadcast_in_dim3A_5 = vector.shape_cast %broadcast_in_dim3A : vector<512x1x3xf32> to vector<512x1x3xf32>
    %broadcast_in_dim3A_6 = vector.broadcast %broadcast_in_dim3A_5 : vector<512x1x3xf32> to vector<512x16x3xf32>
    %reshape3A = vector.shape_cast %broadcast_in_dim3A_6 : vector<512x16x3xf32> to vector<8192x3xf32>
    %slice3A = vector.extract_strided_slice %get3A_1 {offsets = [0, 0], sizes = [8192, 3], strides = [1, 1]} : vector<8192x48xf32> to vector<8192x3xf32>
    %sub3A = arith.subf %slice3A, %reshape3A : vector<8192x3xf32>
    %slice3A_7 = vector.extract_strided_slice %get3A_1 {offsets = [0, 3], sizes = [8192, 32], strides = [1, 1]} : vector<8192x48xf32> to vector<8192x32xf32>
    %concatenate3A = tpu.concatenate %sub3A, %slice3A_7 in 1 : vector<8192x3xf32>, vector<8192x32xf32> -> vector<8192x35xf32>
    %get3A_8 = arith.constant 0 : index
    %get3A_9 = arith.constant 0 : index
    %get3A_10 = vector.load %arg3[%get3A_8, %get3A_9] : memref<35x64xf32, #tpu.memory_space<vmem>>, vector<35x64xf32>
    %dot_general3A = arith.constant dense<0.000000e+00> : vector<8192x64xf32>
    %dot_general3A_11 = tpu.matmul %concatenate3A, %get3A_10, %dot_general3A {dimension_numbers = #tpu.dot_dimension_numbers<[1], [0], [0], [1], [0, 0, 1, 1], [], []>, transpose_lhs_hint = false} : vector<8192x35xf32>, vector<35x64xf32>, vector<8192x64xf32> -> vector<8192x64xf32>
    %get3A_12 = arith.constant 0 : index
    %get3A_13 = arith.constant 0 : index
    %get3A_14 = vector.load %arg4[%get3A_12, %get3A_13] : memref<1x64xf32, #tpu.memory_space<vmem>>, vector<1x64xf32>
    %add3A = vector.broadcast %get3A_14 : vector<1x64xf32> to vector<8192x64xf32>
    %add3A_15 = arith.addf %dot_general3A_11, %add3A : vector<8192x64xf32>
    %max3A = arith.constant 0.000000e+00 : f32
    %max3A_16 = vector.broadcast %max3A : f32 to vector<8192x64xf32>
    %max3A_17 = arith.maximumf %add3A_15, %max3A_16 : vector<8192x64xf32>
    %get3A_18 = arith.constant 0 : index
    %get3A_19 = arith.constant 0 : index
    %get3A_20 = vector.load %arg5[%get3A_18, %get3A_19] : memref<64x128xf32, #tpu.memory_space<vmem>>, vector<64x128xf32>
    %dot_general3A_21 = arith.constant dense<0.000000e+00> : vector<8192x128xf32>
    %dot_general3A_22 = tpu.matmul %max3A_17, %get3A_20, %dot_general3A_21 {dimension_numbers = #tpu.dot_dimension_numbers<[1], [0], [0], [1], [0, 0, 1, 1], [], []>, transpose_lhs_hint = false} : vector<8192x64xf32>, vector<64x128xf32>, vector<8192x128xf32> -> vector<8192x128xf32>
    %get3A_23 = arith.constant 0 : index
    %get3A_24 = arith.constant 0 : index
    %get3A_25 = vector.load %arg6[%get3A_23, %get3A_24] : memref<1x128xf32, #tpu.memory_space<vmem>>, vector<1x128xf32>
    %add3A_26 = vector.broadcast %get3A_25 : vector<1x128xf32> to vector<8192x128xf32>
    %add3A_27 = arith.addf %dot_general3A_22, %add3A_26 : vector<8192x128xf32>
    %max3A_28 = arith.constant 0.000000e+00 : f32
    %max3A_29 = vector.broadcast %max3A_28 : f32 to vector<8192x128xf32>
    %max3A_30 = arith.maximumf %add3A_27, %max3A_29 : vector<8192x128xf32>
    %reshape3A_31 = vector.shape_cast %max3A_30 : vector<8192x128xf32> to vector<512x16x128xf32>
    %reduce_max3A = arith.constant dense<0xFF800000> : vector<512x128xf32>
    %reduce_max3A_32 = vector.multi_reduction <maximumf>, %reshape3A_31, %reduce_max3A [1] : vector<512x16x128xf32> to vector<512x128xf32>
    %broadcast_in_dim3A_33 = arith.constant 0.000000e+00 : f32
    %broadcast_in_dim3A_34 = vector.broadcast %broadcast_in_dim3A_33 : f32 to vector<512x13xf32>
    %concatenate3A_35 = tpu.concatenate %get3A_4, %reduce_max3A_32, %broadcast_in_dim3A_34 in 1 : vector<512x3xf32>, vector<512x128xf32>, vector<512x13xf32> -> vector<512x144xf32>
    %swap3A = arith.constant 0 : index
    %swap3A_36 = arith.constant 0 : index
    %swap3A_37 = vector.load %arg11[%swap3A, %swap3A_36] : memref<512x144xf32, #tpu.memory_space<vmem>>, vector<512x144xf32>
    tpu.vector_store %arg11[%swap3A, %swap3A_36], %concatenate3A_35 {strides = array<i32>} : memref<512x144xf32, #tpu.memory_space<vmem>>, vector<512x144xf32>,
    %get3A_38 = arith.constant 0 : index
    %get3A_39 = arith.constant 0 : index
    %get3A_40 = vector.load %arg7[%get3A_38, %get3A_39] : memref<128x128xf32, #tpu.memory_space<vmem>>, vector<128x128xf32>
    %dot_general3A_41 = arith.constant dense<0.000000e+00> : vector<512x128xf32>
    %dot_general3A_42 = tpu.matmul %reduce_max3A_32, %get3A_40, %dot_general3A_41 {dimension_numbers = #tpu.dot_dimension_numbers<[1], [0], [0], [1], [0, 0, 1, 1], [], []>, transpose_lhs_hint = false} : vector<512x128xf32>, vector<128x128xf32>, vector<512x128xf32> -> vector<512x128xf32>
    %get3A_43 = arith.constant 0 : index
    %get3A_44 = arith.constant 0 : index
    %get3A_45 = vector.load %arg8[%get3A_43, %get3A_44] : memref<1x128xf32, #tpu.memory_space<vmem>>, vector<1x128xf32>
    %add3A_46 = vector.broadcast %get3A_45 : vector<1x128xf32> to vector<512x128xf32>
    %add3A_47 = arith.addf %dot_general3A_42, %add3A_46 : vector<512x128xf32>
    %max3A_48 = arith.constant 0.000000e+00 : f32
    %max3A_49 = vector.broadcast %max3A_48 : f32 to vector<512x128xf32>
    %max3A_50 = arith.maximumf %add3A_47, %max3A_49 : vector<512x128xf32>
    %get3A_51 = arith.constant 0 : index
    %get3A_52 = arith.constant 0 : index
    %get3A_53 = vector.load %arg9[%get3A_51, %get3A_52] : memref<128x3xf32, #tpu.memory_space<vmem>>, vector<128x3xf32>
    %dot_general3A_54 = arith.constant dense<0.000000e+00> : vector<512x3xf32>
    %dot_general3A_55 = tpu.matmul %max3A_50, %get3A_53, %dot_general3A_54 {dimension_numbers = #tpu.dot_dimension_numbers<[1], [0], [0], [1], [0, 0, 1, 1], [], []>, transpose_lhs_hint = false} : vector<512x128xf32>, vector<128x3xf32>, vector<512x3xf32> -> vector<512x3xf32>
    %get3A_56 = arith.constant 0 : index
    %get3A_57 = arith.constant 0 : index
    %get3A_58 = vector.load %arg10[%get3A_56, %get3A_57] : memref<1x3xf32, #tpu.memory_space<vmem>>, vector<1x3xf32>
    %add3A_59 = vector.broadcast %get3A_58 : vector<1x3xf32> to vector<512x3xf32>
    %add3A_60 = arith.addf %dot_general3A_55, %add3A_59 : vector<512x3xf32>
    %iota3A = tpu.iota {dimensions = array<i32: 1>} : vector<512x3xi32>
    %lt3A = arith.constant 2 : i32
    %lt3A_61 = vector.broadcast %lt3A : i32 to vector<512x3xi32>
    %lt3A_62 = arith.cmpi slt, %iota3A, %lt3A_61 : vector<512x3xi32>
    %jit3A = arith.constant 3.000000e+00 : f32
    %jit3A_63 = arith.constant 2.000000e+00 : f32
    %broadcast_in_dim3A_64 = vector.broadcast %jit3A : f32 to vector<512x3xf32>
    %broadcast_in_dim3A_65 = vector.broadcast %jit3A_63 : f32 to vector<512x3xf32>
    %select_n3A = arith.select %lt3A_62, %broadcast_in_dim3A_64, %broadcast_in_dim3A_65 : vector<512x3xi1>, vector<512x3xf32>
    %swap3A_66 = arith.constant 0 : index
    %swap3A_67 = arith.constant 0 : index
    %swap3A_68 = vector.load %arg12[%swap3A_66, %swap3A_67] : memref<512x3xf32, #tpu.memory_space<vmem>>, vector<512x3xf32>
    tpu.vector_store %arg12[%swap3A_66, %swap3A_67], %add3A_60 {strides = array<i32>} : memref<512x3xf32, #tpu.memory_space<vmem>>, vector<512x3xf32>,
    %neg3A = arith.constant 0.000000e+00 : f32
    %neg3A_69 = vector.broadcast %neg3A : f32 to vector<512x3xf32>
    %neg3A_70 = arith.subf %neg3A_69, %select_n3A : vector<512x3xf32>
    %max3A_71 = arith.maximumf %neg3A_70, %add3A_60 : vector<512x3xf32>
    %min3A = arith.minimumf %select_n3A, %max3A_71 : vector<512x3xf32>
    %add3A_72 = arith.addf %get3A_4, %min3A : vector<512x3xf32>
    %swap3A_73 = arith.constant 0 : index
    %swap3A_74 = arith.constant 0 : index
    %swap3A_75 = vector.load %arg13[%swap3A_73, %swap3A_74] : memref<512x3xf32, #tpu.memory_space<vmem>>, vector<512x3xf32>
    tpu.vector_store %arg13[%swap3A_73, %swap3A_74], %add3A_72 {strides = array<i32>} : memref<512x3xf32, #tpu.memory_space<vmem>>, vector<512x3xf32>,
    return
  }
  func.func @transform_0(%arg0: i32) -> (i32, i32) {
    %c0_i32 = arith.constant 0 : i32
    %c0_i32_0 = arith.constant 0 : i32
    return %arg0, %c0_i32 : i32, i32
  }
  func.func @transform_1(%arg0: i32) -> (i32, i32) {
    %c0_i32 = arith.constant 0 : i32
    %c0_i32_0 = arith.constant 0 : i32
    return %arg0, %c0_i32 : i32, i32
  }
  func.func @transform_2(%arg0: i32) -> (i32, i32) {
    %c0_i32 = arith.constant 0 : i32
    %c0_i32_0 = arith.constant 0 : i32
    %c0_i32_1 = arith.constant 0 : i32
    return %c0_i32, %c0_i32_0 : i32, i32
  }
  func.func @transform_3(%arg0: i32) -> (i32, i32) {
    %c0_i32 = arith.constant 0 : i32
    %c0_i32_0 = arith.constant 0 : i32
    %c0_i32_1 = arith.constant 0 : i32
    return %c0_i32, %c0_i32_0 : i32, i32
  }
  func.func @transform_4(%arg0: i32) -> (i32, i32) {
    %c0_i32 = arith.constant 0 : i32
    %c0_i32_0 = arith.constant 0 : i32
    %c0_i32_1 = arith.constant 0 : i32
    return %c0_i32, %c0_i32_0 : i32, i32
  }
  func.func @transform_5(%arg0: i32) -> (i32, i32) {
    %c0_i32 = arith.constant 0 : i32
    %c0_i32_0 = arith.constant 0 : i32
    %c0_i32_1 = arith.constant 0 : i32
    return %c0_i32, %c0_i32_0 : i32, i32
  }
  func.func @transform_6(%arg0: i32) -> (i32, i32) {
    %c0_i32 = arith.constant 0 : i32
    %c0_i32_0 = arith.constant 0 : i32
    %c0_i32_1 = arith.constant 0 : i32
    return %c0_i32, %c0_i32_0 : i32, i32
  }
  func.func @transform_7(%arg0: i32) -> (i32, i32) {
    %c0_i32 = arith.constant 0 : i32
    %c0_i32_0 = arith.constant 0 : i32
    %c0_i32_1 = arith.constant 0 : i32
    return %c0_i32, %c0_i32_0 : i32, i32
  }
  func.func @transform_8(%arg0: i32) -> (i32, i32) {
    %c0_i32 = arith.constant 0 : i32
    %c0_i32_0 = arith.constant 0 : i32
    %c0_i32_1 = arith.constant 0 : i32
    return %c0_i32, %c0_i32_0 : i32, i32
  }
  func.func @transform_9(%arg0: i32) -> (i32, i32) {
    %c0_i32 = arith.constant 0 : i32
    %c0_i32_0 = arith.constant 0 : i32
    %c0_i32_1 = arith.constant 0 : i32
    return %c0_i32, %c0_i32_0 : i32, i32
  }
  func.func @transform_10(%arg0: i32) -> (i32, i32) {
    %c0_i32 = arith.constant 0 : i32
    %c0_i32_0 = arith.constant 0 : i32
    return %arg0, %c0_i32 : i32, i32
  }
  func.func @transform_11(%arg0: i32) -> (i32, i32) {
    %c0_i32 = arith.constant 0 : i32
    %c0_i32_0 = arith.constant 0 : i32
    return %arg0, %c0_i32 : i32, i32
  }
  func.func @transform_12(%arg0: i32) -> (i32, i32) {
    %c0_i32 = arith.constant 0 : i32
    %c0_i32_0 = arith.constant 0 : i32
    return %arg0, %c0_i32 : i32, i32
  }
}

module attributes {stable_mosaic.version = 14 : i64} {
  func.func @kern(%arg0: i32, %arg1: i32, %arg2: memref<1x256x3xf32, #tpu.memory_space<vmem>>, %arg3: memref<1x256x3xf32, #tpu.memory_space<vmem>>, %arg4: memref<1x256x16xi32, #tpu.memory_space<vmem>>) attributes {dimension_semantics = [#tpu.dimension_semantics<parallel>, #tpu.dimension_semantics<parallel>], iteration_bounds = array<i64: 4, 1>, scalar_prefetch = 0 : i64, scratch_operands = 0 : i64, tpu.core_type = #tpu.core_type<tc>, window_params = [{transform_indices = @transform_0, window_bounds = array<i64: 1, 256, 3>}, {transform_indices = @transform_1, window_bounds = array<i64: 1, 256, 3>}, {transform_indices = @transform_2, window_bounds = array<i64: 1, 256, 16>}]} {
    %get3A = arith.constant 0 : index
    %get3A_0 = arith.constant 0 : index
    %get3A_1 = arith.constant 0 : index
    %get3A_2 = vector.load %arg2[%get3A, %get3A_0, %get3A_1] : memref<1x256x3xf32, #tpu.memory_space<vmem>>, vector<1x256x3xf32>
    %get3A_3 = vector.shape_cast %get3A_2 : vector<1x256x3xf32> to vector<256x3xf32>
    %get3A_4 = arith.constant 0 : index
    %get3A_5 = arith.constant 0 : index
    %get3A_6 = arith.constant 0 : index
    %get3A_7 = vector.load %arg3[%get3A_4, %get3A_5, %get3A_6] : memref<1x256x3xf32, #tpu.memory_space<vmem>>, vector<1x256x3xf32>
    %get3A_8 = vector.shape_cast %get3A_7 : vector<1x256x3xf32> to vector<256x3xf32>
    %mul3A = arith.mulf %get3A_3, %get3A_3 : vector<256x3xf32>
    %reduce_sum3A = arith.constant dense<0.000000e+00> : vector<256xf32>
    %reduce_sum3A_9 = vector.multi_reduction <add>, %mul3A, %reduce_sum3A [1] : vector<256x3xf32> to vector<256xf32>
    %broadcast_in_dim3A = vector.shape_cast %reduce_sum3A_9 : vector<256xf32> to vector<256x1xf32>
    %mul3A_10 = arith.mulf %get3A_8, %get3A_8 : vector<256x3xf32>
    %reduce_sum3A_11 = arith.constant dense<0.000000e+00> : vector<256xf32>
    %reduce_sum3A_12 = vector.multi_reduction <add>, %mul3A_10, %reduce_sum3A_11 [1] : vector<256x3xf32> to vector<256xf32>
    %broadcast_in_dim3A_13 = vector.shape_cast %reduce_sum3A_12 : vector<256xf32> to vector<1x256xf32>
    %dot_general3A = arith.constant dense<0.000000e+00> : vector<256x256xf32>
    %dot_general3A_14 = tpu.matmul %get3A_3, %get3A_8, %dot_general3A {dimension_numbers = #tpu.dot_dimension_numbers<[1], [1], [0], [0], [0, 0, 1, 0], [], []>, transpose_lhs_hint = false} : vector<256x3xf32>, vector<256x3xf32>, vector<256x256xf32> -> vector<256x256xf32>
    %add3A = vector.broadcast %broadcast_in_dim3A : vector<256x1xf32> to vector<256x256xf32>
    %add3A_15 = vector.broadcast %broadcast_in_dim3A_13 : vector<1x256xf32> to vector<256x256xf32>
    %add3A_16 = arith.addf %add3A, %add3A_15 : vector<256x256xf32>
    %mul3A_17 = arith.constant 2.000000e+00 : f32
    %mul3A_18 = vector.broadcast %mul3A_17 : f32 to vector<256x256xf32>
    %mul3A_19 = arith.mulf %mul3A_18, %dot_general3A_14 : vector<256x256xf32>
    %sub3A = arith.subf %add3A_16, %mul3A_19 : vector<256x256xf32>
    %iota3A = tpu.iota {dimensions = array<i32: 1>} : vector<256x256xi32>
    %convert_element_type3A = arith.sitofp %iota3A : vector<256x256xi32> to vector<256x256xf32>
    %reduce_min3A = arith.constant dense<0x7F800000> : vector<256xf32>
    %reduce_min3A_20 = vector.multi_reduction <minimumf>, %sub3A, %reduce_min3A [1] : vector<256x256xf32> to vector<256xf32>
    %broadcast_in_dim3A_21 = vector.shape_cast %reduce_min3A_20 : vector<256xf32> to vector<256x1xf32>
    %le3A = vector.broadcast %broadcast_in_dim3A_21 : vector<256x1xf32> to vector<256x256xf32>
    %le3A_22 = arith.cmpf ole, %sub3A, %le3A : vector<256x256xf32>
    %jit3A = arith.constant 3.000000e+38 : f32
    %broadcast_in_dim3A_23 = vector.broadcast %jit3A : f32 to vector<256x256xf32>
    %select_n3A = arith.select %le3A_22, %convert_element_type3A, %broadcast_in_dim3A_23 : vector<256x256xi1>, vector<256x256xf32>
    %reduce_min3A_24 = arith.constant dense<0x7F800000> : vector<256xf32>
    %reduce_min3A_25 = vector.multi_reduction <minimumf>, %select_n3A, %reduce_min3A_24 [1] : vector<256x256xf32> to vector<256xf32>
    %broadcast_in_dim3A_26 = vector.shape_cast %reduce_min3A_25 : vector<256xf32> to vector<256x1xf32>
    %broadcast_in_dim3A_27 = vector.shape_cast %reduce_min3A_25 : vector<256xf32> to vector<256x1xf32>
    %eq3A = vector.broadcast %broadcast_in_dim3A_27 : vector<256x1xf32> to vector<256x256xf32>
    %eq3A_28 = arith.cmpf oeq, %convert_element_type3A, %eq3A : vector<256x256xf32>
    %jit3A_29 = arith.constant 3.000000e+38 : f32
    %broadcast_in_dim3A_30 = vector.broadcast %jit3A_29 : f32 to vector<256x256xf32>
    %select_n3A_31 = arith.select %eq3A_28, %broadcast_in_dim3A_30, %sub3A : vector<256x256xi1>, vector<256x256xf32>
    %reduce_min3A_32 = arith.constant dense<0x7F800000> : vector<256xf32>
    %reduce_min3A_33 = vector.multi_reduction <minimumf>, %select_n3A_31, %reduce_min3A_32 [1] : vector<256x256xf32> to vector<256xf32>
    %broadcast_in_dim3A_34 = vector.shape_cast %reduce_min3A_33 : vector<256xf32> to vector<256x1xf32>
    %le3A_35 = vector.broadcast %broadcast_in_dim3A_34 : vector<256x1xf32> to vector<256x256xf32>
    %le3A_36 = arith.cmpf ole, %select_n3A_31, %le3A_35 : vector<256x256xf32>
    %jit3A_37 = arith.constant 3.000000e+38 : f32
    %broadcast_in_dim3A_38 = vector.broadcast %jit3A_37 : f32 to vector<256x256xf32>
    %select_n3A_39 = arith.select %le3A_36, %convert_element_type3A, %broadcast_in_dim3A_38 : vector<256x256xi1>, vector<256x256xf32>
    %reduce_min3A_40 = arith.constant dense<0x7F800000> : vector<256xf32>
    %reduce_min3A_41 = vector.multi_reduction <minimumf>, %select_n3A_39, %reduce_min3A_40 [1] : vector<256x256xf32> to vector<256xf32>
    %squeeze3A = vector.shape_cast %broadcast_in_dim3A_34 : vector<256x1xf32> to vector<256xf32>
    %le3A_42 = arith.constant 2.304000e+01 : f32
    %le3A_43 = vector.broadcast %le3A_42 : f32 to vector<256xf32>
    %le3A_44 = arith.cmpf ole, %squeeze3A, %le3A_43 : vector<256xf32>
    %select_n3A_45 = arith.select %le3A_44, %reduce_min3A_41, %reduce_min3A_25 : vector<256xi1>, vector<256xf32>
    %broadcast_in_dim3A_46 = vector.shape_cast %select_n3A_45 : vector<256xf32> to vector<256x1xf32>
    %broadcast_in_dim3A_47 = vector.shape_cast %reduce_min3A_41 : vector<256xf32> to vector<256x1xf32>
    %eq3A_48 = vector.broadcast %broadcast_in_dim3A_47 : vector<256x1xf32> to vector<256x256xf32>
    %eq3A_49 = arith.cmpf oeq, %convert_element_type3A, %eq3A_48 : vector<256x256xf32>
    %jit3A_50 = arith.constant 3.000000e+38 : f32
    %broadcast_in_dim3A_51 = vector.broadcast %jit3A_50 : f32 to vector<256x256xf32>
    %select_n3A_52 = arith.select %eq3A_49, %broadcast_in_dim3A_51, %select_n3A_31 : vector<256x256xi1>, vector<256x256xf32>
    %reduce_min3A_53 = arith.constant dense<0x7F800000> : vector<256xf32>
    %reduce_min3A_54 = vector.multi_reduction <minimumf>, %select_n3A_52, %reduce_min3A_53 [1] : vector<256x256xf32> to vector<256xf32>
    %broadcast_in_dim3A_55 = vector.shape_cast %reduce_min3A_54 : vector<256xf32> to vector<256x1xf32>
    %le3A_56 = vector.broadcast %broadcast_in_dim3A_55 : vector<256x1xf32> to vector<256x256xf32>
    %le3A_57 = arith.cmpf ole, %select_n3A_52, %le3A_56 : vector<256x256xf32>
    %jit3A_58 = arith.constant 3.000000e+38 : f32
    %broadcast_in_dim3A_59 = vector.broadcast %jit3A_58 : f32 to vector<256x256xf32>
    %select_n3A_60 = arith.select %le3A_57, %convert_element_type3A, %broadcast_in_dim3A_59 : vector<256x256xi1>, vector<256x256xf32>
    %reduce_min3A_61 = arith.constant dense<0x7F800000> : vector<256xf32>
    %reduce_min3A_62 = vector.multi_reduction <minimumf>, %select_n3A_60, %reduce_min3A_61 [1] : vector<256x256xf32> to vector<256xf32>
    %squeeze3A_63 = vector.shape_cast %broadcast_in_dim3A_55 : vector<256x1xf32> to vector<256xf32>
    %le3A_64 = arith.constant 2.304000e+01 : f32
    %le3A_65 = vector.broadcast %le3A_64 : f32 to vector<256xf32>
    %le3A_66 = arith.cmpf ole, %squeeze3A_63, %le3A_65 : vector<256xf32>
    %select_n3A_67 = arith.select %le3A_66, %reduce_min3A_62, %reduce_min3A_25 : vector<256xi1>, vector<256xf32>
    %broadcast_in_dim3A_68 = vector.shape_cast %select_n3A_67 : vector<256xf32> to vector<256x1xf32>
    %broadcast_in_dim3A_69 = vector.shape_cast %reduce_min3A_62 : vector<256xf32> to vector<256x1xf32>
    %eq3A_70 = vector.broadcast %broadcast_in_dim3A_69 : vector<256x1xf32> to vector<256x256xf32>
    %eq3A_71 = arith.cmpf oeq, %convert_element_type3A, %eq3A_70 : vector<256x256xf32>
    %jit3A_72 = arith.constant 3.000000e+38 : f32
    %broadcast_in_dim3A_73 = vector.broadcast %jit3A_72 : f32 to vector<256x256xf32>
    %select_n3A_74 = arith.select %eq3A_71, %broadcast_in_dim3A_73, %select_n3A_52 : vector<256x256xi1>, vector<256x256xf32>
    %reduce_min3A_75 = arith.constant dense<0x7F800000> : vector<256xf32>
    %reduce_min3A_76 = vector.multi_reduction <minimumf>, %select_n3A_74, %reduce_min3A_75 [1] : vector<256x256xf32> to vector<256xf32>
    %broadcast_in_dim3A_77 = vector.shape_cast %reduce_min3A_76 : vector<256xf32> to vector<256x1xf32>
    %le3A_78 = vector.broadcast %broadcast_in_dim3A_77 : vector<256x1xf32> to vector<256x256xf32>
    %le3A_79 = arith.cmpf ole, %select_n3A_74, %le3A_78 : vector<256x256xf32>
    %jit3A_80 = arith.constant 3.000000e+38 : f32
    %broadcast_in_dim3A_81 = vector.broadcast %jit3A_80 : f32 to vector<256x256xf32>
    %select_n3A_82 = arith.select %le3A_79, %convert_element_type3A, %broadcast_in_dim3A_81 : vector<256x256xi1>, vector<256x256xf32>
    %reduce_min3A_83 = arith.constant dense<0x7F800000> : vector<256xf32>
    %reduce_min3A_84 = vector.multi_reduction <minimumf>, %select_n3A_82, %reduce_min3A_83 [1] : vector<256x256xf32> to vector<256xf32>
    %squeeze3A_85 = vector.shape_cast %broadcast_in_dim3A_77 : vector<256x1xf32> to vector<256xf32>
    %le3A_86 = arith.constant 2.304000e+01 : f32
    %le3A_87 = vector.broadcast %le3A_86 : f32 to vector<256xf32>
    %le3A_88 = arith.cmpf ole, %squeeze3A_85, %le3A_87 : vector<256xf32>
    %select_n3A_89 = arith.select %le3A_88, %reduce_min3A_84, %reduce_min3A_25 : vector<256xi1>, vector<256xf32>
    %broadcast_in_dim3A_90 = vector.shape_cast %select_n3A_89 : vector<256xf32> to vector<256x1xf32>
    %broadcast_in_dim3A_91 = vector.shape_cast %reduce_min3A_84 : vector<256xf32> to vector<256x1xf32>
    %eq3A_92 = vector.broadcast %broadcast_in_dim3A_91 : vector<256x1xf32> to vector<256x256xf32>
    %eq3A_93 = arith.cmpf oeq, %convert_element_type3A, %eq3A_92 : vector<256x256xf32>
    %jit3A_94 = arith.constant 3.000000e+38 : f32
    %broadcast_in_dim3A_95 = vector.broadcast %jit3A_94 : f32 to vector<256x256xf32>
    %select_n3A_96 = arith.select %eq3A_93, %broadcast_in_dim3A_95, %select_n3A_74 : vector<256x256xi1>, vector<256x256xf32>
    %reduce_min3A_97 = arith.constant dense<0x7F800000> : vector<256xf32>
    %reduce_min3A_98 = vector.multi_reduction <minimumf>, %select_n3A_96, %reduce_min3A_97 [1] : vector<256x256xf32> to vector<256xf32>
    %broadcast_in_dim3A_99 = vector.shape_cast %reduce_min3A_98 : vector<256xf32> to vector<256x1xf32>
    %le3A_100 = vector.broadcast %broadcast_in_dim3A_99 : vector<256x1xf32> to vector<256x256xf32>
    %le3A_101 = arith.cmpf ole, %select_n3A_96, %le3A_100 : vector<256x256xf32>
    %jit3A_102 = arith.constant 3.000000e+38 : f32
    %broadcast_in_dim3A_103 = vector.broadcast %jit3A_102 : f32 to vector<256x256xf32>
    %select_n3A_104 = arith.select %le3A_101, %convert_element_type3A, %broadcast_in_dim3A_103 : vector<256x256xi1>, vector<256x256xf32>
    %reduce_min3A_105 = arith.constant dense<0x7F800000> : vector<256xf32>
    %reduce_min3A_106 = vector.multi_reduction <minimumf>, %select_n3A_104, %reduce_min3A_105 [1] : vector<256x256xf32> to vector<256xf32>
    %squeeze3A_107 = vector.shape_cast %broadcast_in_dim3A_99 : vector<256x1xf32> to vector<256xf32>
    %le3A_108 = arith.constant 2.304000e+01 : f32
    %le3A_109 = vector.broadcast %le3A_108 : f32 to vector<256xf32>
    %le3A_110 = arith.cmpf ole, %squeeze3A_107, %le3A_109 : vector<256xf32>
    %select_n3A_111 = arith.select %le3A_110, %reduce_min3A_106, %reduce_min3A_25 : vector<256xi1>, vector<256xf32>
    %broadcast_in_dim3A_112 = vector.shape_cast %select_n3A_111 : vector<256xf32> to vector<256x1xf32>
    %broadcast_in_dim3A_113 = vector.shape_cast %reduce_min3A_106 : vector<256xf32> to vector<256x1xf32>
    %eq3A_114 = vector.broadcast %broadcast_in_dim3A_113 : vector<256x1xf32> to vector<256x256xf32>
    %eq3A_115 = arith.cmpf oeq, %convert_element_type3A, %eq3A_114 : vector<256x256xf32>
    %jit3A_116 = arith.constant 3.000000e+38 : f32
    %broadcast_in_dim3A_117 = vector.broadcast %jit3A_116 : f32 to vector<256x256xf32>
    %select_n3A_118 = arith.select %eq3A_115, %broadcast_in_dim3A_117, %select_n3A_96 : vector<256x256xi1>, vector<256x256xf32>
    %reduce_min3A_119 = arith.constant dense<0x7F800000> : vector<256xf32>
    %reduce_min3A_120 = vector.multi_reduction <minimumf>, %select_n3A_118, %reduce_min3A_119 [1] : vector<256x256xf32> to vector<256xf32>
    %broadcast_in_dim3A_121 = vector.shape_cast %reduce_min3A_120 : vector<256xf32> to vector<256x1xf32>
    %le3A_122 = vector.broadcast %broadcast_in_dim3A_121 : vector<256x1xf32> to vector<256x256xf32>
    %le3A_123 = arith.cmpf ole, %select_n3A_118, %le3A_122 : vector<256x256xf32>
    %jit3A_124 = arith.constant 3.000000e+38 : f32
    %broadcast_in_dim3A_125 = vector.broadcast %jit3A_124 : f32 to vector<256x256xf32>
    %select_n3A_126 = arith.select %le3A_123, %convert_element_type3A, %broadcast_in_dim3A_125 : vector<256x256xi1>, vector<256x256xf32>
    %reduce_min3A_127 = arith.constant dense<0x7F800000> : vector<256xf32>
    %reduce_min3A_128 = vector.multi_reduction <minimumf>, %select_n3A_126, %reduce_min3A_127 [1] : vector<256x256xf32> to vector<256xf32>
    %squeeze3A_129 = vector.shape_cast %broadcast_in_dim3A_121 : vector<256x1xf32> to vector<256xf32>
    %le3A_130 = arith.constant 2.304000e+01 : f32
    %le3A_131 = vector.broadcast %le3A_130 : f32 to vector<256xf32>
    %le3A_132 = arith.cmpf ole, %squeeze3A_129, %le3A_131 : vector<256xf32>
    %select_n3A_133 = arith.select %le3A_132, %reduce_min3A_128, %reduce_min3A_25 : vector<256xi1>, vector<256xf32>
    %broadcast_in_dim3A_134 = vector.shape_cast %select_n3A_133 : vector<256xf32> to vector<256x1xf32>
    %broadcast_in_dim3A_135 = vector.shape_cast %reduce_min3A_128 : vector<256xf32> to vector<256x1xf32>
    %eq3A_136 = vector.broadcast %broadcast_in_dim3A_135 : vector<256x1xf32> to vector<256x256xf32>
    %eq3A_137 = arith.cmpf oeq, %convert_element_type3A, %eq3A_136 : vector<256x256xf32>
    %jit3A_138 = arith.constant 3.000000e+38 : f32
    %broadcast_in_dim3A_139 = vector.broadcast %jit3A_138 : f32 to vector<256x256xf32>
    %select_n3A_140 = arith.select %eq3A_137, %broadcast_in_dim3A_139, %select_n3A_118 : vector<256x256xi1>, vector<256x256xf32>
    %reduce_min3A_141 = arith.constant dense<0x7F800000> : vector<256xf32>
    %reduce_min3A_142 = vector.multi_reduction <minimumf>, %select_n3A_140, %reduce_min3A_141 [1] : vector<256x256xf32> to vector<256xf32>
    %broadcast_in_dim3A_143 = vector.shape_cast %reduce_min3A_142 : vector<256xf32> to vector<256x1xf32>
    %le3A_144 = vector.broadcast %broadcast_in_dim3A_143 : vector<256x1xf32> to vector<256x256xf32>
    %le3A_145 = arith.cmpf ole, %select_n3A_140, %le3A_144 : vector<256x256xf32>
    %jit3A_146 = arith.constant 3.000000e+38 : f32
    %broadcast_in_dim3A_147 = vector.broadcast %jit3A_146 : f32 to vector<256x256xf32>
    %select_n3A_148 = arith.select %le3A_145, %convert_element_type3A, %broadcast_in_dim3A_147 : vector<256x256xi1>, vector<256x256xf32>
    %reduce_min3A_149 = arith.constant dense<0x7F800000> : vector<256xf32>
    %reduce_min3A_150 = vector.multi_reduction <minimumf>, %select_n3A_148, %reduce_min3A_149 [1] : vector<256x256xf32> to vector<256xf32>
    %squeeze3A_151 = vector.shape_cast %broadcast_in_dim3A_143 : vector<256x1xf32> to vector<256xf32>
    %le3A_152 = arith.constant 2.304000e+01 : f32
    %le3A_153 = vector.broadcast %le3A_152 : f32 to vector<256xf32>
    %le3A_154 = arith.cmpf ole, %squeeze3A_151, %le3A_153 : vector<256xf32>
    %select_n3A_155 = arith.select %le3A_154, %reduce_min3A_150, %reduce_min3A_25 : vector<256xi1>, vector<256xf32>
    %broadcast_in_dim3A_156 = vector.shape_cast %select_n3A_155 : vector<256xf32> to vector<256x1xf32>
    %broadcast_in_dim3A_157 = vector.shape_cast %reduce_min3A_150 : vector<256xf32> to vector<256x1xf32>
    %eq3A_158 = vector.broadcast %broadcast_in_dim3A_157 : vector<256x1xf32> to vector<256x256xf32>
    %eq3A_159 = arith.cmpf oeq, %convert_element_type3A, %eq3A_158 : vector<256x256xf32>
    %jit3A_160 = arith.constant 3.000000e+38 : f32
    %broadcast_in_dim3A_161 = vector.broadcast %jit3A_160 : f32 to vector<256x256xf32>
    %select_n3A_162 = arith.select %eq3A_159, %broadcast_in_dim3A_161, %select_n3A_140 : vector<256x256xi1>, vector<256x256xf32>
    %reduce_min3A_163 = arith.constant dense<0x7F800000> : vector<256xf32>
    %reduce_min3A_164 = vector.multi_reduction <minimumf>, %select_n3A_162, %reduce_min3A_163 [1] : vector<256x256xf32> to vector<256xf32>
    %broadcast_in_dim3A_165 = vector.shape_cast %reduce_min3A_164 : vector<256xf32> to vector<256x1xf32>
    %le3A_166 = vector.broadcast %broadcast_in_dim3A_165 : vector<256x1xf32> to vector<256x256xf32>
    %le3A_167 = arith.cmpf ole, %select_n3A_162, %le3A_166 : vector<256x256xf32>
    %jit3A_168 = arith.constant 3.000000e+38 : f32
    %broadcast_in_dim3A_169 = vector.broadcast %jit3A_168 : f32 to vector<256x256xf32>
    %select_n3A_170 = arith.select %le3A_167, %convert_element_type3A, %broadcast_in_dim3A_169 : vector<256x256xi1>, vector<256x256xf32>
    %reduce_min3A_171 = arith.constant dense<0x7F800000> : vector<256xf32>
    %reduce_min3A_172 = vector.multi_reduction <minimumf>, %select_n3A_170, %reduce_min3A_171 [1] : vector<256x256xf32> to vector<256xf32>
    %squeeze3A_173 = vector.shape_cast %broadcast_in_dim3A_165 : vector<256x1xf32> to vector<256xf32>
    %le3A_174 = arith.constant 2.304000e+01 : f32
    %le3A_175 = vector.broadcast %le3A_174 : f32 to vector<256xf32>
    %le3A_176 = arith.cmpf ole, %squeeze3A_173, %le3A_175 : vector<256xf32>
    %select_n3A_177 = arith.select %le3A_176, %reduce_min3A_172, %reduce_min3A_25 : vector<256xi1>, vector<256xf32>
    %broadcast_in_dim3A_178 = vector.shape_cast %select_n3A_177 : vector<256xf32> to vector<256x1xf32>
    %broadcast_in_dim3A_179 = vector.shape_cast %reduce_min3A_172 : vector<256xf32> to vector<256x1xf32>
    %eq3A_180 = vector.broadcast %broadcast_in_dim3A_179 : vector<256x1xf32> to vector<256x256xf32>
    %eq3A_181 = arith.cmpf oeq, %convert_element_type3A, %eq3A_180 : vector<256x256xf32>
    %jit3A_182 = arith.constant 3.000000e+38 : f32
    %broadcast_in_dim3A_183 = vector.broadcast %jit3A_182 : f32 to vector<256x256xf32>
    %select_n3A_184 = arith.select %eq3A_181, %broadcast_in_dim3A_183, %select_n3A_162 : vector<256x256xi1>, vector<256x256xf32>
    %reduce_min3A_185 = arith.constant dense<0x7F800000> : vector<256xf32>
    %reduce_min3A_186 = vector.multi_reduction <minimumf>, %select_n3A_184, %reduce_min3A_185 [1] : vector<256x256xf32> to vector<256xf32>
    %broadcast_in_dim3A_187 = vector.shape_cast %reduce_min3A_186 : vector<256xf32> to vector<256x1xf32>
    %le3A_188 = vector.broadcast %broadcast_in_dim3A_187 : vector<256x1xf32> to vector<256x256xf32>
    %le3A_189 = arith.cmpf ole, %select_n3A_184, %le3A_188 : vector<256x256xf32>
    %jit3A_190 = arith.constant 3.000000e+38 : f32
    %broadcast_in_dim3A_191 = vector.broadcast %jit3A_190 : f32 to vector<256x256xf32>
    %select_n3A_192 = arith.select %le3A_189, %convert_element_type3A, %broadcast_in_dim3A_191 : vector<256x256xi1>, vector<256x256xf32>
    %reduce_min3A_193 = arith.constant dense<0x7F800000> : vector<256xf32>
    %reduce_min3A_194 = vector.multi_reduction <minimumf>, %select_n3A_192, %reduce_min3A_193 [1] : vector<256x256xf32> to vector<256xf32>
    %squeeze3A_195 = vector.shape_cast %broadcast_in_dim3A_187 : vector<256x1xf32> to vector<256xf32>
    %le3A_196 = arith.constant 2.304000e+01 : f32
    %le3A_197 = vector.broadcast %le3A_196 : f32 to vector<256xf32>
    %le3A_198 = arith.cmpf ole, %squeeze3A_195, %le3A_197 : vector<256xf32>
    %select_n3A_199 = arith.select %le3A_198, %reduce_min3A_194, %reduce_min3A_25 : vector<256xi1>, vector<256xf32>
    %broadcast_in_dim3A_200 = vector.shape_cast %select_n3A_199 : vector<256xf32> to vector<256x1xf32>
    %broadcast_in_dim3A_201 = vector.shape_cast %reduce_min3A_194 : vector<256xf32> to vector<256x1xf32>
    %eq3A_202 = vector.broadcast %broadcast_in_dim3A_201 : vector<256x1xf32> to vector<256x256xf32>
    %eq3A_203 = arith.cmpf oeq, %convert_element_type3A, %eq3A_202 : vector<256x256xf32>
    %jit3A_204 = arith.constant 3.000000e+38 : f32
    %broadcast_in_dim3A_205 = vector.broadcast %jit3A_204 : f32 to vector<256x256xf32>
    %select_n3A_206 = arith.select %eq3A_203, %broadcast_in_dim3A_205, %select_n3A_184 : vector<256x256xi1>, vector<256x256xf32>
    %reduce_min3A_207 = arith.constant dense<0x7F800000> : vector<256xf32>
    %reduce_min3A_208 = vector.multi_reduction <minimumf>, %select_n3A_206, %reduce_min3A_207 [1] : vector<256x256xf32> to vector<256xf32>
    %broadcast_in_dim3A_209 = vector.shape_cast %reduce_min3A_208 : vector<256xf32> to vector<256x1xf32>
    %le3A_210 = vector.broadcast %broadcast_in_dim3A_209 : vector<256x1xf32> to vector<256x256xf32>
    %le3A_211 = arith.cmpf ole, %select_n3A_206, %le3A_210 : vector<256x256xf32>
    %jit3A_212 = arith.constant 3.000000e+38 : f32
    %broadcast_in_dim3A_213 = vector.broadcast %jit3A_212 : f32 to vector<256x256xf32>
    %select_n3A_214 = arith.select %le3A_211, %convert_element_type3A, %broadcast_in_dim3A_213 : vector<256x256xi1>, vector<256x256xf32>
    %reduce_min3A_215 = arith.constant dense<0x7F800000> : vector<256xf32>
    %reduce_min3A_216 = vector.multi_reduction <minimumf>, %select_n3A_214, %reduce_min3A_215 [1] : vector<256x256xf32> to vector<256xf32>
    %squeeze3A_217 = vector.shape_cast %broadcast_in_dim3A_209 : vector<256x1xf32> to vector<256xf32>
    %le3A_218 = arith.constant 2.304000e+01 : f32
    %le3A_219 = vector.broadcast %le3A_218 : f32 to vector<256xf32>
    %le3A_220 = arith.cmpf ole, %squeeze3A_217, %le3A_219 : vector<256xf32>
    %select_n3A_221 = arith.select %le3A_220, %reduce_min3A_216, %reduce_min3A_25 : vector<256xi1>, vector<256xf32>
    %broadcast_in_dim3A_222 = vector.shape_cast %select_n3A_221 : vector<256xf32> to vector<256x1xf32>
    %broadcast_in_dim3A_223 = vector.shape_cast %reduce_min3A_216 : vector<256xf32> to vector<256x1xf32>
    %eq3A_224 = vector.broadcast %broadcast_in_dim3A_223 : vector<256x1xf32> to vector<256x256xf32>
    %eq3A_225 = arith.cmpf oeq, %convert_element_type3A, %eq3A_224 : vector<256x256xf32>
    %jit3A_226 = arith.constant 3.000000e+38 : f32
    %broadcast_in_dim3A_227 = vector.broadcast %jit3A_226 : f32 to vector<256x256xf32>
    %select_n3A_228 = arith.select %eq3A_225, %broadcast_in_dim3A_227, %select_n3A_206 : vector<256x256xi1>, vector<256x256xf32>
    %reduce_min3A_229 = arith.constant dense<0x7F800000> : vector<256xf32>
    %reduce_min3A_230 = vector.multi_reduction <minimumf>, %select_n3A_228, %reduce_min3A_229 [1] : vector<256x256xf32> to vector<256xf32>
    %broadcast_in_dim3A_231 = vector.shape_cast %reduce_min3A_230 : vector<256xf32> to vector<256x1xf32>
    %le3A_232 = vector.broadcast %broadcast_in_dim3A_231 : vector<256x1xf32> to vector<256x256xf32>
    %le3A_233 = arith.cmpf ole, %select_n3A_228, %le3A_232 : vector<256x256xf32>
    %jit3A_234 = arith.constant 3.000000e+38 : f32
    %broadcast_in_dim3A_235 = vector.broadcast %jit3A_234 : f32 to vector<256x256xf32>
    %select_n3A_236 = arith.select %le3A_233, %convert_element_type3A, %broadcast_in_dim3A_235 : vector<256x256xi1>, vector<256x256xf32>
    %reduce_min3A_237 = arith.constant dense<0x7F800000> : vector<256xf32>
    %reduce_min3A_238 = vector.multi_reduction <minimumf>, %select_n3A_236, %reduce_min3A_237 [1] : vector<256x256xf32> to vector<256xf32>
    %squeeze3A_239 = vector.shape_cast %broadcast_in_dim3A_231 : vector<256x1xf32> to vector<256xf32>
    %le3A_240 = arith.constant 2.304000e+01 : f32
    %le3A_241 = vector.broadcast %le3A_240 : f32 to vector<256xf32>
    %le3A_242 = arith.cmpf ole, %squeeze3A_239, %le3A_241 : vector<256xf32>
    %select_n3A_243 = arith.select %le3A_242, %reduce_min3A_238, %reduce_min3A_25 : vector<256xi1>, vector<256xf32>
    %broadcast_in_dim3A_244 = vector.shape_cast %select_n3A_243 : vector<256xf32> to vector<256x1xf32>
    %broadcast_in_dim3A_245 = vector.shape_cast %reduce_min3A_238 : vector<256xf32> to vector<256x1xf32>
    %eq3A_246 = vector.broadcast %broadcast_in_dim3A_245 : vector<256x1xf32> to vector<256x256xf32>
    %eq3A_247 = arith.cmpf oeq, %convert_element_type3A, %eq3A_246 : vector<256x256xf32>
    %jit3A_248 = arith.constant 3.000000e+38 : f32
    %broadcast_in_dim3A_249 = vector.broadcast %jit3A_248 : f32 to vector<256x256xf32>
    %select_n3A_250 = arith.select %eq3A_247, %broadcast_in_dim3A_249, %select_n3A_228 : vector<256x256xi1>, vector<256x256xf32>
    %reduce_min3A_251 = arith.constant dense<0x7F800000> : vector<256xf32>
    %reduce_min3A_252 = vector.multi_reduction <minimumf>, %select_n3A_250, %reduce_min3A_251 [1] : vector<256x256xf32> to vector<256xf32>
    %broadcast_in_dim3A_253 = vector.shape_cast %reduce_min3A_252 : vector<256xf32> to vector<256x1xf32>
    %le3A_254 = vector.broadcast %broadcast_in_dim3A_253 : vector<256x1xf32> to vector<256x256xf32>
    %le3A_255 = arith.cmpf ole, %select_n3A_250, %le3A_254 : vector<256x256xf32>
    %jit3A_256 = arith.constant 3.000000e+38 : f32
    %broadcast_in_dim3A_257 = vector.broadcast %jit3A_256 : f32 to vector<256x256xf32>
    %select_n3A_258 = arith.select %le3A_255, %convert_element_type3A, %broadcast_in_dim3A_257 : vector<256x256xi1>, vector<256x256xf32>
    %reduce_min3A_259 = arith.constant dense<0x7F800000> : vector<256xf32>
    %reduce_min3A_260 = vector.multi_reduction <minimumf>, %select_n3A_258, %reduce_min3A_259 [1] : vector<256x256xf32> to vector<256xf32>
    %squeeze3A_261 = vector.shape_cast %broadcast_in_dim3A_253 : vector<256x1xf32> to vector<256xf32>
    %le3A_262 = arith.constant 2.304000e+01 : f32
    %le3A_263 = vector.broadcast %le3A_262 : f32 to vector<256xf32>
    %le3A_264 = arith.cmpf ole, %squeeze3A_261, %le3A_263 : vector<256xf32>
    %select_n3A_265 = arith.select %le3A_264, %reduce_min3A_260, %reduce_min3A_25 : vector<256xi1>, vector<256xf32>
    %broadcast_in_dim3A_266 = vector.shape_cast %select_n3A_265 : vector<256xf32> to vector<256x1xf32>
    %broadcast_in_dim3A_267 = vector.shape_cast %reduce_min3A_260 : vector<256xf32> to vector<256x1xf32>
    %eq3A_268 = vector.broadcast %broadcast_in_dim3A_267 : vector<256x1xf32> to vector<256x256xf32>
    %eq3A_269 = arith.cmpf oeq, %convert_element_type3A, %eq3A_268 : vector<256x256xf32>
    %jit3A_270 = arith.constant 3.000000e+38 : f32
    %broadcast_in_dim3A_271 = vector.broadcast %jit3A_270 : f32 to vector<256x256xf32>
    %select_n3A_272 = arith.select %eq3A_269, %broadcast_in_dim3A_271, %select_n3A_250 : vector<256x256xi1>, vector<256x256xf32>
    %reduce_min3A_273 = arith.constant dense<0x7F800000> : vector<256xf32>
    %reduce_min3A_274 = vector.multi_reduction <minimumf>, %select_n3A_272, %reduce_min3A_273 [1] : vector<256x256xf32> to vector<256xf32>
    %broadcast_in_dim3A_275 = vector.shape_cast %reduce_min3A_274 : vector<256xf32> to vector<256x1xf32>
    %le3A_276 = vector.broadcast %broadcast_in_dim3A_275 : vector<256x1xf32> to vector<256x256xf32>
    %le3A_277 = arith.cmpf ole, %select_n3A_272, %le3A_276 : vector<256x256xf32>
    %jit3A_278 = arith.constant 3.000000e+38 : f32
    %broadcast_in_dim3A_279 = vector.broadcast %jit3A_278 : f32 to vector<256x256xf32>
    %select_n3A_280 = arith.select %le3A_277, %convert_element_type3A, %broadcast_in_dim3A_279 : vector<256x256xi1>, vector<256x256xf32>
    %reduce_min3A_281 = arith.constant dense<0x7F800000> : vector<256xf32>
    %reduce_min3A_282 = vector.multi_reduction <minimumf>, %select_n3A_280, %reduce_min3A_281 [1] : vector<256x256xf32> to vector<256xf32>
    %squeeze3A_283 = vector.shape_cast %broadcast_in_dim3A_275 : vector<256x1xf32> to vector<256xf32>
    %le3A_284 = arith.constant 2.304000e+01 : f32
    %le3A_285 = vector.broadcast %le3A_284 : f32 to vector<256xf32>
    %le3A_286 = arith.cmpf ole, %squeeze3A_283, %le3A_285 : vector<256xf32>
    %select_n3A_287 = arith.select %le3A_286, %reduce_min3A_282, %reduce_min3A_25 : vector<256xi1>, vector<256xf32>
    %broadcast_in_dim3A_288 = vector.shape_cast %select_n3A_287 : vector<256xf32> to vector<256x1xf32>
    %broadcast_in_dim3A_289 = vector.shape_cast %reduce_min3A_282 : vector<256xf32> to vector<256x1xf32>
    %eq3A_290 = vector.broadcast %broadcast_in_dim3A_289 : vector<256x1xf32> to vector<256x256xf32>
    %eq3A_291 = arith.cmpf oeq, %convert_element_type3A, %eq3A_290 : vector<256x256xf32>
    %jit3A_292 = arith.constant 3.000000e+38 : f32
    %broadcast_in_dim3A_293 = vector.broadcast %jit3A_292 : f32 to vector<256x256xf32>
    %select_n3A_294 = arith.select %eq3A_291, %broadcast_in_dim3A_293, %select_n3A_272 : vector<256x256xi1>, vector<256x256xf32>
    %reduce_min3A_295 = arith.constant dense<0x7F800000> : vector<256xf32>
    %reduce_min3A_296 = vector.multi_reduction <minimumf>, %select_n3A_294, %reduce_min3A_295 [1] : vector<256x256xf32> to vector<256xf32>
    %broadcast_in_dim3A_297 = vector.shape_cast %reduce_min3A_296 : vector<256xf32> to vector<256x1xf32>
    %le3A_298 = vector.broadcast %broadcast_in_dim3A_297 : vector<256x1xf32> to vector<256x256xf32>
    %le3A_299 = arith.cmpf ole, %select_n3A_294, %le3A_298 : vector<256x256xf32>
    %jit3A_300 = arith.constant 3.000000e+38 : f32
    %broadcast_in_dim3A_301 = vector.broadcast %jit3A_300 : f32 to vector<256x256xf32>
    %select_n3A_302 = arith.select %le3A_299, %convert_element_type3A, %broadcast_in_dim3A_301 : vector<256x256xi1>, vector<256x256xf32>
    %reduce_min3A_303 = arith.constant dense<0x7F800000> : vector<256xf32>
    %reduce_min3A_304 = vector.multi_reduction <minimumf>, %select_n3A_302, %reduce_min3A_303 [1] : vector<256x256xf32> to vector<256xf32>
    %squeeze3A_305 = vector.shape_cast %broadcast_in_dim3A_297 : vector<256x1xf32> to vector<256xf32>
    %le3A_306 = arith.constant 2.304000e+01 : f32
    %le3A_307 = vector.broadcast %le3A_306 : f32 to vector<256xf32>
    %le3A_308 = arith.cmpf ole, %squeeze3A_305, %le3A_307 : vector<256xf32>
    %select_n3A_309 = arith.select %le3A_308, %reduce_min3A_304, %reduce_min3A_25 : vector<256xi1>, vector<256xf32>
    %broadcast_in_dim3A_310 = vector.shape_cast %select_n3A_309 : vector<256xf32> to vector<256x1xf32>
    %broadcast_in_dim3A_311 = vector.shape_cast %reduce_min3A_304 : vector<256xf32> to vector<256x1xf32>
    %eq3A_312 = vector.broadcast %broadcast_in_dim3A_311 : vector<256x1xf32> to vector<256x256xf32>
    %eq3A_313 = arith.cmpf oeq, %convert_element_type3A, %eq3A_312 : vector<256x256xf32>
    %jit3A_314 = arith.constant 3.000000e+38 : f32
    %broadcast_in_dim3A_315 = vector.broadcast %jit3A_314 : f32 to vector<256x256xf32>
    %select_n3A_316 = arith.select %eq3A_313, %broadcast_in_dim3A_315, %select_n3A_294 : vector<256x256xi1>, vector<256x256xf32>
    %reduce_min3A_317 = arith.constant dense<0x7F800000> : vector<256xf32>
    %reduce_min3A_318 = vector.multi_reduction <minimumf>, %select_n3A_316, %reduce_min3A_317 [1] : vector<256x256xf32> to vector<256xf32>
    %broadcast_in_dim3A_319 = vector.shape_cast %reduce_min3A_318 : vector<256xf32> to vector<256x1xf32>
    %le3A_320 = vector.broadcast %broadcast_in_dim3A_319 : vector<256x1xf32> to vector<256x256xf32>
    %le3A_321 = arith.cmpf ole, %select_n3A_316, %le3A_320 : vector<256x256xf32>
    %jit3A_322 = arith.constant 3.000000e+38 : f32
    %broadcast_in_dim3A_323 = vector.broadcast %jit3A_322 : f32 to vector<256x256xf32>
    %select_n3A_324 = arith.select %le3A_321, %convert_element_type3A, %broadcast_in_dim3A_323 : vector<256x256xi1>, vector<256x256xf32>
    %reduce_min3A_325 = arith.constant dense<0x7F800000> : vector<256xf32>
    %reduce_min3A_326 = vector.multi_reduction <minimumf>, %select_n3A_324, %reduce_min3A_325 [1] : vector<256x256xf32> to vector<256xf32>
    %squeeze3A_327 = vector.shape_cast %broadcast_in_dim3A_319 : vector<256x1xf32> to vector<256xf32>
    %le3A_328 = arith.constant 2.304000e+01 : f32
    %le3A_329 = vector.broadcast %le3A_328 : f32 to vector<256xf32>
    %le3A_330 = arith.cmpf ole, %squeeze3A_327, %le3A_329 : vector<256xf32>
    %select_n3A_331 = arith.select %le3A_330, %reduce_min3A_326, %reduce_min3A_25 : vector<256xi1>, vector<256xf32>
    %broadcast_in_dim3A_332 = vector.shape_cast %select_n3A_331 : vector<256xf32> to vector<256x1xf32>
    %broadcast_in_dim3A_333 = vector.shape_cast %reduce_min3A_326 : vector<256xf32> to vector<256x1xf32>
    %eq3A_334 = vector.broadcast %broadcast_in_dim3A_333 : vector<256x1xf32> to vector<256x256xf32>
    %eq3A_335 = arith.cmpf oeq, %convert_element_type3A, %eq3A_334 : vector<256x256xf32>
    %jit3A_336 = arith.constant 3.000000e+38 : f32
    %broadcast_in_dim3A_337 = vector.broadcast %jit3A_336 : f32 to vector<256x256xf32>
    %select_n3A_338 = arith.select %eq3A_335, %broadcast_in_dim3A_337, %select_n3A_316 : vector<256x256xi1>, vector<256x256xf32>
    %reduce_min3A_339 = arith.constant dense<0x7F800000> : vector<256xf32>
    %reduce_min3A_340 = vector.multi_reduction <minimumf>, %select_n3A_338, %reduce_min3A_339 [1] : vector<256x256xf32> to vector<256xf32>
    %broadcast_in_dim3A_341 = vector.shape_cast %reduce_min3A_340 : vector<256xf32> to vector<256x1xf32>
    %le3A_342 = vector.broadcast %broadcast_in_dim3A_341 : vector<256x1xf32> to vector<256x256xf32>
    %le3A_343 = arith.cmpf ole, %select_n3A_338, %le3A_342 : vector<256x256xf32>
    %jit3A_344 = arith.constant 3.000000e+38 : f32
    %broadcast_in_dim3A_345 = vector.broadcast %jit3A_344 : f32 to vector<256x256xf32>
    %select_n3A_346 = arith.select %le3A_343, %convert_element_type3A, %broadcast_in_dim3A_345 : vector<256x256xi1>, vector<256x256xf32>
    %reduce_min3A_347 = arith.constant dense<0x7F800000> : vector<256xf32>
    %reduce_min3A_348 = vector.multi_reduction <minimumf>, %select_n3A_346, %reduce_min3A_347 [1] : vector<256x256xf32> to vector<256xf32>
    %squeeze3A_349 = vector.shape_cast %broadcast_in_dim3A_341 : vector<256x1xf32> to vector<256xf32>
    %le3A_350 = arith.constant 2.304000e+01 : f32
    %le3A_351 = vector.broadcast %le3A_350 : f32 to vector<256xf32>
    %le3A_352 = arith.cmpf ole, %squeeze3A_349, %le3A_351 : vector<256xf32>
    %select_n3A_353 = arith.select %le3A_352, %reduce_min3A_348, %reduce_min3A_25 : vector<256xi1>, vector<256xf32>
    %broadcast_in_dim3A_354 = vector.shape_cast %select_n3A_353 : vector<256xf32> to vector<256x1xf32>
    %concatenate3A = tpu.concatenate %broadcast_in_dim3A_26, %broadcast_in_dim3A_46, %broadcast_in_dim3A_68, %broadcast_in_dim3A_90, %broadcast_in_dim3A_112, %broadcast_in_dim3A_134, %broadcast_in_dim3A_156, %broadcast_in_dim3A_178, %broadcast_in_dim3A_200, %broadcast_in_dim3A_222, %broadcast_in_dim3A_244, %broadcast_in_dim3A_266, %broadcast_in_dim3A_288, %broadcast_in_dim3A_310, %broadcast_in_dim3A_332, %broadcast_in_dim3A_354 in 1 : vector<256x1xf32>, vector<256x1xf32>, vector<256x1xf32>, vector<256x1xf32>, vector<256x1xf32>, vector<256x1xf32>, vector<256x1xf32>, vector<256x1xf32>, vector<256x1xf32>, vector<256x1xf32>, vector<256x1xf32>, vector<256x1xf32>, vector<256x1xf32>, vector<256x1xf32>, vector<256x1xf32>, vector<256x1xf32> -> vector<256x16xf32>
    %convert_element_type3A_355 = arith.fptosi %concatenate3A : vector<256x16xf32> to vector<256x16xi32>
    %mul3A_356 = arith.constant 256 : i32
    %mul3A_357 = arith.muli %arg0, %mul3A_356 : i32
    %add3A_358 = vector.broadcast %mul3A_357 : i32 to vector<256x16xi32>
    %add3A_359 = arith.addi %convert_element_type3A_355, %add3A_358 : vector<256x16xi32>
    %swap3A = arith.constant 0 : index
    %swap3A_360 = arith.constant 0 : index
    %swap3A_361 = arith.constant 0 : index
    %swap3A_362 = vector.load %arg4[%swap3A, %swap3A_360, %swap3A_361] : memref<1x256x16xi32, #tpu.memory_space<vmem>>, vector<1x256x16xi32>
    %swap3A_363 = vector.shape_cast %swap3A_362 : vector<1x256x16xi32> to vector<256x16xi32>
    %swap3A_364 = vector.shape_cast %add3A_359 : vector<256x16xi32> to vector<1x256x16xi32>
    tpu.vector_store %arg4[%swap3A, %swap3A_360, %swap3A_361], %swap3A_364 {strides = array<i32>} : memref<1x256x16xi32, #tpu.memory_space<vmem>>, vector<1x256x16xi32>,
    return
  }
  func.func @transform_0(%arg0: i32, %arg1: i32) -> (i32, i32, i32) {
    %c0_i32 = arith.constant 0 : i32
    %c0_i32_0 = arith.constant 0 : i32
    return %arg0, %arg1, %c0_i32 : i32, i32, i32
  }
  func.func @transform_1(%arg0: i32, %arg1: i32) -> (i32, i32, i32) {
    %c0_i32 = arith.constant 0 : i32
    %c0_i32_0 = arith.constant 0 : i32
    %c0_i32_1 = arith.constant 0 : i32
    return %arg0, %c0_i32, %c0_i32_0 : i32, i32, i32
  }
  func.func @transform_2(%arg0: i32, %arg1: i32) -> (i32, i32, i32) {
    %c0_i32 = arith.constant 0 : i32
    %c0_i32_0 = arith.constant 0 : i32
    return %arg0, %arg1, %c0_i32 : i32, i32, i32
  }
}

module attributes {stable_mosaic.version = 14 : i64} {
  func.func @kern(%arg0: i32, %arg1: memref<8192x144xf32, #tpu.memory_space<vmem>>, %arg2: memref<512x3xf32, #tpu.memory_space<vmem>>, %arg3: memref<131x256xf32, #tpu.memory_space<vmem>>, %arg4: memref<1x256xf32, #tpu.memory_space<vmem>>, %arg5: memref<256x256xf32, #tpu.memory_space<vmem>>, %arg6: memref<1x256xf32, #tpu.memory_space<vmem>>, %arg7: memref<512x256xf32, #tpu.memory_space<vmem>>) attributes {dimension_semantics = [#tpu.dimension_semantics<parallel>], iteration_bounds = array<i64: 2>, scalar_prefetch = 0 : i64, scratch_operands = 0 : i64, tpu.core_type = #tpu.core_type<tc>, window_params = [{transform_indices = @transform_0, window_bounds = array<i64: 8192, 144>}, {transform_indices = @transform_1, window_bounds = array<i64: 512, 3>}, {pipeline_mode = #tpu.pipeline_mode<synchronous>, transform_indices = @transform_2, window_bounds = array<i64: 131, 256>}, {pipeline_mode = #tpu.pipeline_mode<synchronous>, transform_indices = @transform_3, window_bounds = array<i64: 1, 256>}, {pipeline_mode = #tpu.pipeline_mode<synchronous>, transform_indices = @transform_4, window_bounds = array<i64: 256, 256>}, {pipeline_mode = #tpu.pipeline_mode<synchronous>, transform_indices = @transform_5, window_bounds = array<i64: 1, 256>}, {transform_indices = @transform_6, window_bounds = array<i64: 512, 256>}]} {
    %get3A = arith.constant 0 : index
    %get3A_0 = arith.constant 0 : index
    %get3A_1 = vector.load %arg1[%get3A, %get3A_0] : memref<8192x144xf32, #tpu.memory_space<vmem>>, vector<8192x144xf32>
    %get3A_2 = arith.constant 0 : index
    %get3A_3 = arith.constant 0 : index
    %get3A_4 = vector.load %arg2[%get3A_2, %get3A_3] : memref<512x3xf32, #tpu.memory_space<vmem>>, vector<512x3xf32>
    %broadcast_in_dim3A = vector.shape_cast %get3A_4 : vector<512x3xf32> to vector<512x1x3xf32>
    %broadcast_in_dim3A_5 = vector.shape_cast %broadcast_in_dim3A : vector<512x1x3xf32> to vector<512x1x3xf32>
    %broadcast_in_dim3A_6 = vector.broadcast %broadcast_in_dim3A_5 : vector<512x1x3xf32> to vector<512x16x3xf32>
    %reshape3A = vector.shape_cast %broadcast_in_dim3A_6 : vector<512x16x3xf32> to vector<8192x3xf32>
    %slice3A = vector.extract_strided_slice %get3A_1 {offsets = [0, 0], sizes = [8192, 3], strides = [1, 1]} : vector<8192x144xf32> to vector<8192x3xf32>
    %sub3A = arith.subf %slice3A, %reshape3A : vector<8192x3xf32>
    %slice3A_7 = vector.extract_strided_slice %get3A_1 {offsets = [0, 3], sizes = [8192, 128], strides = [1, 1]} : vector<8192x144xf32> to vector<8192x128xf32>
    %concatenate3A = tpu.concatenate %sub3A, %slice3A_7 in 1 : vector<8192x3xf32>, vector<8192x128xf32> -> vector<8192x131xf32>
    %get3A_8 = arith.constant 0 : index
    %get3A_9 = arith.constant 0 : index
    %get3A_10 = vector.load %arg3[%get3A_8, %get3A_9] : memref<131x256xf32, #tpu.memory_space<vmem>>, vector<131x256xf32>
    %dot_general3A = arith.constant dense<0.000000e+00> : vector<8192x256xf32>
    %dot_general3A_11 = tpu.matmul %concatenate3A, %get3A_10, %dot_general3A {dimension_numbers = #tpu.dot_dimension_numbers<[1], [0], [0], [1], [0, 0, 1, 1], [], []>, transpose_lhs_hint = false} : vector<8192x131xf32>, vector<131x256xf32>, vector<8192x256xf32> -> vector<8192x256xf32>
    %get3A_12 = arith.constant 0 : index
    %get3A_13 = arith.constant 0 : index
    %get3A_14 = vector.load %arg4[%get3A_12, %get3A_13] : memref<1x256xf32, #tpu.memory_space<vmem>>, vector<1x256xf32>
    %add3A = vector.broadcast %get3A_14 : vector<1x256xf32> to vector<8192x256xf32>
    %add3A_15 = arith.addf %dot_general3A_11, %add3A : vector<8192x256xf32>
    %max3A = arith.constant 0.000000e+00 : f32
    %max3A_16 = vector.broadcast %max3A : f32 to vector<8192x256xf32>
    %max3A_17 = arith.maximumf %add3A_15, %max3A_16 : vector<8192x256xf32>
    %get3A_18 = arith.constant 0 : index
    %get3A_19 = arith.constant 0 : index
    %get3A_20 = vector.load %arg5[%get3A_18, %get3A_19] : memref<256x256xf32, #tpu.memory_space<vmem>>, vector<256x256xf32>
    %dot_general3A_21 = arith.constant dense<0.000000e+00> : vector<8192x256xf32>
    %dot_general3A_22 = tpu.matmul %max3A_17, %get3A_20, %dot_general3A_21 {dimension_numbers = #tpu.dot_dimension_numbers<[1], [0], [0], [1], [0, 0, 1, 1], [], []>, transpose_lhs_hint = false} : vector<8192x256xf32>, vector<256x256xf32>, vector<8192x256xf32> -> vector<8192x256xf32>
    %get3A_23 = arith.constant 0 : index
    %get3A_24 = arith.constant 0 : index
    %get3A_25 = vector.load %arg6[%get3A_23, %get3A_24] : memref<1x256xf32, #tpu.memory_space<vmem>>, vector<1x256xf32>
    %add3A_26 = vector.broadcast %get3A_25 : vector<1x256xf32> to vector<8192x256xf32>
    %add3A_27 = arith.addf %dot_general3A_22, %add3A_26 : vector<8192x256xf32>
    %max3A_28 = arith.constant 0.000000e+00 : f32
    %max3A_29 = vector.broadcast %max3A_28 : f32 to vector<8192x256xf32>
    %max3A_30 = arith.maximumf %add3A_27, %max3A_29 : vector<8192x256xf32>
    %reshape3A_31 = vector.shape_cast %max3A_30 : vector<8192x256xf32> to vector<512x16x256xf32>
    %reduce_max3A = arith.constant dense<0xFF800000> : vector<512x256xf32>
    %reduce_max3A_32 = vector.multi_reduction <maximumf>, %reshape3A_31, %reduce_max3A [1] : vector<512x16x256xf32> to vector<512x256xf32>
    %swap3A = arith.constant 0 : index
    %swap3A_33 = arith.constant 0 : index
    %swap3A_34 = vector.load %arg7[%swap3A, %swap3A_33] : memref<512x256xf32, #tpu.memory_space<vmem>>, vector<512x256xf32>
    tpu.vector_store %arg7[%swap3A, %swap3A_33], %reduce_max3A_32 {strides = array<i32>} : memref<512x256xf32, #tpu.memory_space<vmem>>, vector<512x256xf32>,
    return
  }
  func.func @transform_0(%arg0: i32) -> (i32, i32) {
    %c0_i32 = arith.constant 0 : i32
    %c0_i32_0 = arith.constant 0 : i32
    return %arg0, %c0_i32 : i32, i32
  }
  func.func @transform_1(%arg0: i32) -> (i32, i32) {
    %c0_i32 = arith.constant 0 : i32
    %c0_i32_0 = arith.constant 0 : i32
    return %arg0, %c0_i32 : i32, i32
  }
  func.func @transform_2(%arg0: i32) -> (i32, i32) {
    %c0_i32 = arith.constant 0 : i32
    %c0_i32_0 = arith.constant 0 : i32
    %c0_i32_1 = arith.constant 0 : i32
    return %c0_i32, %c0_i32_0 : i32, i32
  }
  func.func @transform_3(%arg0: i32) -> (i32, i32) {
    %c0_i32 = arith.constant 0 : i32
    %c0_i32_0 = arith.constant 0 : i32
    %c0_i32_1 = arith.constant 0 : i32
    return %c0_i32, %c0_i32_0 : i32, i32
  }
  func.func @transform_4(%arg0: i32) -> (i32, i32) {
    %c0_i32 = arith.constant 0 : i32
    %c0_i32_0 = arith.constant 0 : i32
    %c0_i32_1 = arith.constant 0 : i32
    return %c0_i32, %c0_i32_0 : i32, i32
  }
  func.func @transform_5(%arg0: i32) -> (i32, i32) {
    %c0_i32 = arith.constant 0 : i32
    %c0_i32_0 = arith.constant 0 : i32
    %c0_i32_1 = arith.constant 0 : i32
    return %c0_i32, %c0_i32_0 : i32, i32
  }
  func.func @transform_6(%arg0: i32) -> (i32, i32) {
    %c0_i32 = arith.constant 0 : i32
    %c0_i32_0 = arith.constant 0 : i32
    return %arg0, %c0_i32 : i32, i32
  }
}

</mosaic_0001>

<sc_bundles>
// kernel: kernel.11.cloned.1.call-start
scs
__scs_entry_jumppad:
0x0: {  	(pc) =	sbr.rel $0x88, $3  }
0x1: {  	(tag) =	ssettag $0x0;
	lr =	simm.s32 $0x1  }
0x2: {  	[smem:$0x3F8F] =	sst lr;
	_ =	strace $0xD0000000  }
0x3: {  	_ = 	snop  }
0x4: {  	_ = 	snop  }
0x5: {  	_ = 	snop  }
0x6: {  	_ = 	snop  }
0x7: {  	_ = 	snop  }
__scs_overlays_trampoline_lowered:
0x8: {  	[smem:$0x3F9E] =	sst s0  }
0x9: {  	[smem:$0x3F9F] =	sst s1  }
0xa: {  	[smem:$0x3FA0] =	sst s2  }
0xb: {  	[smem:$0x3FA1] =	sst s3  }
0xc: {  	[smem:$0x3FA2] =	sst s4  }
0xd: {  	[smem:$0x3FA3] =	sst s5  }
0xe: {  	[smem:$0x3FA4] =	sst s6  }
0xf: {  	[smem:$0x3FA5] =	sst s7  }
0x10: {  	[smem:$0x3FA6] =	sst s8  }
0x11: {  	[smem:$0x3FA7] =	sst s9;
	s0 =	simm.s32 @!p0 $0x0  }
0x12: {  	s1 =	sld [smem:$0x3F8D];
	s0 =	simm.s32 @p0 $0x1  }
0x13: {  	[smem:$0x3FA8] =	sst s0;
	s0 =	simm.s32 @!p1 $0x0  }
0x14: {  	s2 =	sld [smem:$0x3F8C];
	s0 =	simm.s32 @p1 $0x1  }
0x15: {  	[smem:$0x3FA9] =	sst s0;
	s0 =	simm.s32 @!p2 $0x0  }
0x16: {  	s3 =	sld [smem:$0x3FDB];
	s0 =	simm.s32 @p2 $0x1  }
0x17: {  	s4 =	simm.s32 $0x1BF5;
	[smem:$0x3FAB] =	sst s0  }
0x18: {  	s0 =	sld [smem:$0x3F8E];
	_ =	swait.ge [sflag:s4], $0x0  }
0x19: {  	s7 =	sld [smem:$0x3F8F]  }
0x1a: {  	s8 =	sadd.s32 $0xFFFFE003, lr  }
0x1b: {  	s9 =	sadd.s32 $0xFFFFFEF7, lr;
	s5 =	simm.s32 $0xFFFFFFFF;
	p2 =	slt.u32 s8, $0xFFFFF086  }
0x1c: {  	p1 =	slt.u32 s9, $0xF7A;
	s5 =	simm.s32 @!p2 $0x0  }
0x1d: {  	s5 =	simm.s32 @p1 $0x1;
	p0 =	seq.s32 s7, s2  }
0x1e: {  	s7 =	smul.u32 @!p0 $0xF7A, s2;
	p2 =	seq.s32 @!p0 s5, $0x0  }
0x1f: {  	s9 =	smul.u32 $0xF7A, s1;
	s8 =	simm.s32 @!p0 $0x1BF5;
	p2 =	por !p2, p0  }
0x20: {  	[sflag:s8] =	ssyncset.s32 @!p0 $0xFFFFF086;
	s6 =	sadd.s32 @!p0 s3, s7;
	s7 =	simm.s32 @!p0 $0x108  }
0x21: {  	s3 =	sadd.s32 s3, s9;
	s6 =	sadd.s32 @!p0 $0x88, s6;
	s7 =	simm.s32 @p2 $0x1082  }
0x22: {  	[simem:s7], [sflag:s8] =	dma.local @!p0 [hbm:s6], $0xF7A  }
0x23: {  	s9 =	sor.u32 $0xD0000000, s2;
	s6 =	simm.s32 $0x108;
	_ =	swait.ge @!p0 [sflag:s8], $0x0  }
0x24: {  	s3 =	sadd.s32 $0x88, s3;
	s6 =	simm.s32 @!p1 $0x1082;
	[sflag:s4] =	ssyncset.s32 $0xFFFFF086  }
0x25: {  	[simem:s6], [sflag:s4] =	dma.local [hbm:s3], $0xF7A  }
0x26: {  	[smem:$0x3F8F] =	sst s1;
	(tag) =	ssettag s2;
	_ =	strace s9  }
0x27: {  	s1 =	sld [smem:$0x3F9F]  }
0x28: {  	s2 =	sld [smem:$0x3FA0]  }
0x29: {  	s4 =	sld [smem:$0x3FA2]  }
0x2a: {  	p0 =	seq.s32 s5, $0x0;
	s5 =	sld [smem:$0x3FA3]  }
0x2b: {  	s6 =	sld [smem:$0x3FA4]  }
0x2c: {  	s7 =	sld [smem:$0x3FA5]  }
0x2d: {  	s3 =	simm.s32 $0x108;
	s8 =	sld [smem:$0x3FA6]  }
0x2e: {  	s3 =	simm.s32 @!p0 $0x1082;
	s9 =	sld [smem:$0x3FA7]  }
0x2f: {  	lr =	sadd.s32 s0, s3;
	s0 =	sld [smem:$0x3F9E]  }
0x30: {  	s3 =	sld [smem:$0x3FA1]  }
0x31: {  	[smem:$0x3FAA] =	sst s10  }
0x32: {  	s10 =	sld [smem:$0x3FA8];
	_ =	sdelay $0x3  }
0x33: {  	p0 =	seq.s32 s10, $0x1;
	s10 =	sld [smem:$0x3FAA];
	_ =	sdelay $0x3  }
0x34: {  	[smem:$0x3FAA] =	sst s10  }
0x35: {  	s10 =	sld [smem:$0x3FA9];
	_ =	sdelay $0x3  }
0x36: {  	p1 =	seq.s32 s10, $0x1;
	s10 =	sld [smem:$0x3FAA];
	_ =	sdelay $0x3  }
0x37: {  	[smem:$0x3FAA] =	sst s10  }
0x38: {  	s10 =	sld [smem:$0x3FAB]  }
0x39: {  	_ = 	snop;
	(pc) =	sbr.ind lr, $3  }
0x3a: {  	_ = 	snop  }
0x3b: {  	_ = 	snop  }
0x3c: {  	p2 =	seq.s32 s10, $0x1;
	s10 =	sld [smem:$0x3FAA]  }
0x3d: {  	_ =	shalt  }
0x3e: {  	_ =	shalt  }
0x3f: {  	_ =	shalt  }
0x40: {  	_ =	shalt  }
0x41: {  	_ =	shalt  }
0x42: {  	_ =	shalt  }
0x43: {  	_ =	shalt  }
0x44: {  	_ =	shalt  }
0x45: {  	_ =	shalt  }
0x46: {  	_ =	shalt  }
0x47: {  	_ =	shalt  }
0x48: {  	_ =	shalt  }
0x49: {  	_ =	shalt  }
0x4a: {  	_ =	shalt  }
0x4b: {  	_ =	shalt  }
0x4c: {  	_ =	shalt  }
0x4d: {  	_ =	shalt  }
0x4e: {  	_ =	shalt  }
0x4f: {  	_ =	shalt  }
0x50: {  	_ =	shalt  }
0x51: {  	_ =	shalt  }
0x52: {  	_ =	shalt  }
0x53: {  	_ =	shalt  }
0x54: {  	_ =	shalt  }
0x55: {  	_ =	shalt  }
0x56: {  	_ =	shalt  }
0x57: {  	_ =	shalt  }
0x58: {  	_ =	shalt  }
0x59: {  	_ =	shalt  }
0x5a: {  	_ =	shalt  }
0x5b: {  	_ =	shalt  }
0x5c: {  	_ =	shalt  }
0x5d: {  	_ =	shalt  }
0x5e: {  	_ =	shalt  }
0x5f: {  	_ =	shalt  }
0x60: {  	_ =	shalt  }
0x61: {  	_ =	shalt  }
0x62: {  	_ =	shalt  }
0x63: {  	_ =	shalt  }
0x64: {  	_ =	shalt  }
0x65: {  	_ =	shalt  }
0x66: {  	_ =	shalt  }
0x67: {  	_ =	shalt  }
0x68: {  	_ =	shalt  }
0x69: {  	_ =	shalt  }
0x6a: {  	_ =	shalt  }
0x6b: {  	_ =	shalt  }
0x6c: {  	_ =	shalt  }
0x6d: {  	_ =	shalt  }
0x6e: {  	_ =	shalt  }
0x6f: {  	_ =	shalt  }
0x70: {  	_ =	shalt  }
0x71: {  	_ =	shalt  }
0x72: {  	_ =	shalt  }
0x73: {  	_ =	shalt  }
0x74: {  	_ =	shalt  }
0x75: {  	_ =	shalt  }
0x76: {  	_ =	shalt  }
0x77: {  	_ =	shalt  }
0x78: {  	_ =	shalt  }
0x79: {  	_ =	shalt  }
0x7a: {  	_ =	shalt  }
0x7b: {  	_ =	shalt  }
0x7c: {  	_ =	shalt  }
0x7d: {  	_ =	shalt  }
0x7e: {  	_ =	shalt  }
0x7f: {  	_ =	shalt  }
0x80: {  	_ =	shalt  }
0x81: {  	_ =	shalt  }
0x82: {  	_ =	shalt  }
0x83: {  	_ =	shalt  }
0x84: {  	_ =	shalt  }
0x85: {  	_ =	shalt  }
0x86: {  	_ =	shalt  }
0x87: {  	_ =	shalt  }
.Lfunc_end0:
.L_simem_size_0:
called_computation_lowered:
.L_overlay_start_0:
0x88: {  	s2 =	sld [smem:$0x3FD9]  }
0x89: {  	s3 =	sld [smem:$0x3FFE];
	_ =	sdelay $0x1  }
0x8a: {  	s1 =	srdreg.scid  }
0x8b: {  	s0 =	sand.u32 $0x1, s1  }
0x8c: {  	s14 =	sshll.u32 s0, $0xA;
	s2 =	sadd.s32 s3, s2  }
0x8d: {  	s2 =	sadd.s32 s2, s14  }
0x8e: {  	[smem:$0x3FB6] =	sst s2  }
0x8f: {  	_ = 	snop  }
0x90: {  	s2 =	sld [smem:$0x3FD0];
	_ =	sdelay $0x2  }
0x91: {  	s15 =	simm.s32 $0xA;
	s4 =	simm.s32 $0x10  }
0x92: {  	[smem:s4], [sflag:s15] =	dma.local [hbm:s2], $0x1  }
0x93: {  	_ =	swait.eq [sflag:s15], $0x1  }
0x94: {  	[sflag:s15] =	ssyncset.done $0x0  }
0x95: {  	[sflag:s15] =	ssyncadd.s32 $0xFFFFFFFF  }
0x96: {  	s16 =	sld [smem:$0x10];
	(tm) =	ssettm $0x1  }
0x97: {  	s17 =	sld [smem:$0x3FFB];
	_ =	sdelay $0x3  }
0x98: {  	_ =	strace s17  }
0x99: {  	s3 =	sld [smem:$0x3FFC];
	_ =	sdelay $0x3  }
0x9a: {  	_ =	strace s3  }
0x9b: {  	s3 =	sld [smem:$0x3FFD];
	_ =	sdelay $0x3  }
0x9c: {  	_ =	strace s3  }
0x9d: {  	_ =	strace $0x8FFFFFFF  }
0x9e: {  	s18 =	sld [smem:$0x3FDB];
	_ =	sdelay $0x1  }
0x9f: {  	s19 =	simm.s32 $_scs_section_size  }
0xa0: {  	s5 =	simm.s32 $_size__tile_overlayer_lowered;
	s6 =	simm.s32 $_tile_overlayer_lowered  }
0xa1: {  	s22 =	simm.s32 $0x1BFF;
	s21 =	sshll.u32 s6, $0x1;
	s3 =	sadd.s32 s19, s18  }
0xa2: {  	s7 =	simm.s32 $0x0;
	s20 =	sshll.u32 s5, $0x1;
	s5 =	sadd.s32 s21, s3  }
0xa3: {  	[timem:s7], [sflag:s22] =	dma.local [hbm:s5], s20  }
0xa4: {  	_ =	swait.ge [sflag:s22], s20  }
0xa5: {  	s4 =	ssub.s32 $0x0, s20;
	[sflag:s22] =	ssyncset.done $0x0  }
0xa6: {  	[sflag:s22] =	ssyncadd.s32 s4;
	_ =	sdelay $0x1  }
0xa7: {  	s23 =	simm.s32 $0x1B8B  }
0xa8: {  	_ =	swait.ge [sflag:s23], $0x1  }
0xa9: {  	[sflag:s23] =	ssyncset.done $0x0  }
0xaa: {  	s25 =	simm.s32 $0x1B8E;
	s24 =	sld [smem:$0x3FFE];
	[sflag:s23] =	ssyncadd.s32 $0xFFFFFFFF  }
0xab: {  	s26 =	simm.s32 $execute0_lowered;
	[smem:$0x3FD2] =	sst s25  }
0xac: {  	s5 =	sshll.u32 s26, $0x1;
	_ =	strace $0x80000046;
	[dreg:$0x1] =	wrdreg $0xFFFFFFFF  }
0xad: {  	s28 =	simm.s32 $_size_execute0_lowered;
	s3 =	sadd.s32 s3, s5;
	[dreg:$0x0] =	wrdreg $0x0  }
0xae: {  	s5 =	sshll.u32 s28, $0x1;
	[dreg:$0x2] =	wrdreg s3  }
0xaf: {  	[dreg:$0x3] =	wrdreg s5  }
0xb0: {  	[dreg:$0x4] =	wrdreg $0xC0  }
0xb1: {  	_ =	task [dreg:s7], $0x5FFFF  }
0xb2: {  	[dreg:$0x1] =	wrdreg $0xFFFFFFFF  }
0xb3: {  	[dreg:$0x0] =	wrdreg $0x60  }
0xb4: {  	[dreg:$0x2] =	wrdreg s16  }
0xb5: {  	[dreg:$0x3] =	wrdreg s24  }
0xb6: {  	[dreg:$0x4] =	wrdreg $0x9  }
0xb7: {  	_ =	task.clear_ibuf [dreg:s7], $0x5FFFF;
	_ =	strace $0x90000046  }
0xb8: {  	s29 =	simm.s32 $0x9;
	_ =	strace $0x80000048  }
0xb9: {  	_ =	swait.ge [sflag:s29], $0x1  }
0xba: {  	[sflag:s29] =	ssyncadd.s32 $0xFFFFFFFF  }
0xbb: {  	_ =	strace $0x90000048  }
0xbc: {  	_ =	sfence  }
0xbd: {  	s30 =	sld [smem:$0x0];
	_ =	sdelay $0x2  }
0xbe: {  	s31 =	sshll.u32 s1, $0xD;
	s1 =	sshrl.u32 s1, $0x2  }
0xbf: {  	s3 =	sand.u32 $0x4000, s31;
	s1 =	sadd.s32 s1, s30  }
0xc0: {  	s0 =	sor.u32 s3, s0;
	s1 =	sshll.u32 s1, $0x11  }
0xc1: {  	s0 =	sor.u32 s1, s0  }
0xc2: {  	s0 =	sadd.s32 $0x8F2B, s0  }
0xc3: {  	[sflag:s0] =	ssyncadd.remote.s32 $0x1  }
0xc4: {  	_ =	sfence.sel $0xFFFF  }
0xc5: {  	[dreg:$0x0] =	wrdreg $0xFFFFFFFF;
	(pc) =	sbr.abs _section_cstart, $3  }
0xc6: {  	[dreg:$0x1] =	wrdreg $0xFFFFFFFF  }
0xc7: {  	_ =	task.clear_ibuf [dreg:s7], $0x2FFFF;
	_ =	strace $0x9FFFFFFF  }
0xc8: {  	(tm) =	ssettm $0x7FFFFFFF  }
0xc9: {  	_ =	shalt  }
tec
execute0_lowered:
.L_overlay_start_1:
0x0: {  	(tag) =	ssettag $0x1  }
0x1: {  	s1 =	srdreg.scid  }
0x2: {  	s0 =	stileid.u32;
	s6 =	sand.u32 $0x1, s1  }
0x3: {  	s2 =	rddreg [dreg:$0x0];
	s30 =	sshll.u32 s0, $0xC;
	s3 =	sshll.u32 s6, $0xB  }
0x4: {  	s8 =	rddreg [dreg:$0x1];
	s7 =	simm.s32 $0x1;
	s9 =	sor.u32 s3, s30  }
0x5: {  	s1 =	rddreg [dreg:$0x2];
	s3 =	simm.s32 $0x0;
	s4 =	sshrl.u32 s9, $0x3  }
0x6: {  	s10 =	ssub.s32 $0x2, s6;
	[smem:$0x7FF] =	sst s3;
	s4 =	sadd.s32 s4, s8  }
0x7: {  	_ =	strace $0x80000047;
	s5 =	sadd.s32 $0x2C00, s4;
	s4 =	simm.s32 $0x2  }
0x8: {  	[tilespmem:s3], [sflag:$0x2] =	stream.linear.gather [hbm4b:s5+s3], $0x800, $0x38;
	[tilespmem:$0x8800] =	vst v63  }
0x9: {  	s6 =	simm.s32 $0x800;
	s11 =	sshrl.u32 s10, $0x1;
	_ =	swait.ge [sflag:s4], $0x800  }
0xa: {  	s9 =	sshll.u32 s9, $0x1;
	s31 =	ssub.s32 s10, s11;
	[sflag:s4] =	ssyncset.done $0x0  }
0xb: {  	s8 =	sadd.s32 s9, s8;
	s9 =	smax.u32 s31, $0x1;
	[sflag:s4] =	ssyncadd.s32 $0xFFFFF800  }
0xc: {  	[tilespmem:s6], [sflag:$0x1] =	stream.indirect.gather [hbm4b:s2+s6], $0x10, s3, s6, $0xb8;
	[tilespmem:$0x8800] =	vst v63  }
0xd: {  	p0 =	sne.s32 s9, $0x1;
	_ =	swait.ge [sflag:s7], $0x8000  }
.Ltmp0:
0xe: {  	[sflag:s7] =	ssyncset.done $0x0;
	(pc) =	sbr.rel @!p0 .LBB2_2-.Ltmp0, $4  }
0xf: {  	s8 =	sadd.s32 $0x4C00, s8;
	[sflag:s7] =	ssyncadd.s32 $0xFFFF8000  }
0x10: {  	[hbm4b:s8+s3] =	stream.linear.scatter [tilespmem:s6], [sflag:$0x2], $0x8000, $0x38;
	[tilespmem:$0x8800] =	vst v63  }
0x11: {  	_ =	swait.ge [sflag:s4], $0x8000  }
0x12: {  	s9 =	sadd.s32 $0xFFFFFFFF, s9;
	[sflag:s4] =	ssyncset.done $0x0  }
.LBB2_1:
0x13: {  	p0 =	sne.s32 s9, $0x1;
	s9 =	sadd.s32 $0xFFFFFFFF, s9;
	[sflag:s4] =	ssyncadd.s32 $0xFFFF8000  }
0x14: {  	[tilespmem:s3], [sflag:$0x2] =	stream.linear.gather [hbm4b:s5+s3], $0x800, $0x38;
	[tilespmem:$0x8800] =	vst v63  }
0x15: {  	_ =	swait.ge [sflag:s4], $0x800  }
0x16: {  	[sflag:s4] =	ssyncset.done $0x0  }
0x17: {  	[sflag:s4] =	ssyncadd.s32 $0xFFFFF800  }
0x18: {  	[tilespmem:s6], [sflag:$0x1] =	stream.indirect.gather [hbm4b:s2+s6], $0x10, s3, s6, $0xb8;
	[tilespmem:$0x8800] =	vst v63  }
0x19: {  	_ =	swait.ge [sflag:s7], $0x8000  }
.Ltmp1:
0x1a: {  	[sflag:s7] =	ssyncset.done $0x0;
	(pc) =	sbr.rel @p0 .LBB2_1-.Ltmp1, $4  }
0x1b: {  	[sflag:s7] =	ssyncadd.s32 $0xFFFF8000  }
0x1c: {  	[hbm4b:s8+s3] =	stream.linear.scatter [tilespmem:s6], [sflag:$0x2], $0x8000, $0x38;
	[tilespmem:$0x8800] =	vst v63  }
0x1d: {  	_ =	swait.ge [sflag:s4], $0x8000  }
0x1e: {  	[sflag:s4] =	ssyncset.done $0x0  }
.LBB2_2:
0x1f: {  	[sflag:s4] =	ssyncadd.s32 $0xFFFF8000  }
0x20: {  	_ =	sfence.sel $0x180000  }
0x21: {  	[bflag:$0x0] =	sbarrier.arrive $0xFFFF  }
0x22: {  	p0 =	sne.s32 s0, $0x0;
	_ =	strace $0x90000047  }
0x23: {  	s0 =	sadd.s32 @!p0 $0x100000, s1;
	[bflag:$0x2] =	sbarrier.arrive $0xFFFF  }
0x24: {  	[sflag:s0] =	ssyncadd.tile.s32 @!p0 $0x1;
	_ =	shalt  }
.Lfunc_end2:
_tile_overlayer_lowered:
.L_overlay_start_2:
0x25: {  	(tag) =	ssettag $0x2  }
0x26: {  	s0 =	rddreg [dreg:$0x0];
	s2 =	stileid.u32  }
0x27: {  	s1 =	rddreg [dreg:$0x1];
	p0 =	sne.s32 s2, $0x0  }
0x28: {  	s3 =	rddreg [dreg:$0x2];
	[bflag:$0x3] =	sbarrier.arrive $0xFFFF;
	s2 =	simm.s32 @!p0 $0x1C02  }
0x29: {  	[timem:s3], [sflag:s2] =	dma.local @!p0 [hbm:s0], s1  }
0x2a: {  	s0 =	simm.s32 @!p0 $0x2  }
0x2b: {  	_ =	swait.ge @!p0 [sflag:s0], s1  }
0x2c: {  	s1 =	ssub.s32 @!p0 $0x0, s1;
	[sflag:s0] =	ssyncset.done @!p0 $0x0  }
0x2d: {  	[sflag:s0] =	ssyncadd.s32 @!p0 s1  }
0x2e: {  	[bflag:$0x3] =	sbarrier.arrive $0xFFFF  }
0x2f: {  	_ =	shalt  }

// kernel: kernel.14.cloned.1.call-start
scs
__scs_entry_jumppad:
0x0: {  	(pc) =	sbr.rel $0x88, $3  }
0x1: {  	(tag) =	ssettag $0x0;
	lr =	simm.s32 $0x1  }
0x2: {  	[smem:$0x3F8F] =	sst lr;
	_ =	strace $0xD0000000  }
0x3: {  	_ = 	snop  }
0x4: {  	_ = 	snop  }
0x5: {  	_ = 	snop  }
0x6: {  	_ = 	snop  }
0x7: {  	_ = 	snop  }
__scs_overlays_trampoline_lowered:
0x8: {  	[smem:$0x3F9E] =	sst s0  }
0x9: {  	[smem:$0x3F9F] =	sst s1  }
0xa: {  	[smem:$0x3FA0] =	sst s2  }
0xb: {  	[smem:$0x3FA1] =	sst s3  }
0xc: {  	[smem:$0x3FA2] =	sst s4  }
0xd: {  	[smem:$0x3FA3] =	sst s5  }
0xe: {  	[smem:$0x3FA4] =	sst s6  }
0xf: {  	[smem:$0x3FA5] =	sst s7  }
0x10: {  	[smem:$0x3FA6] =	sst s8  }
0x11: {  	[smem:$0x3FA7] =	sst s9;
	s0 =	simm.s32 @!p0 $0x0  }
0x12: {  	s1 =	sld [smem:$0x3F8D];
	s0 =	simm.s32 @p0 $0x1  }
0x13: {  	[smem:$0x3FA8] =	sst s0;
	s0 =	simm.s32 @!p1 $0x0  }
0x14: {  	s2 =	sld [smem:$0x3F8C];
	s0 =	simm.s32 @p1 $0x1  }
0x15: {  	[smem:$0x3FA9] =	sst s0;
	s0 =	simm.s32 @!p2 $0x0  }
0x16: {  	s3 =	sld [smem:$0x3FDB];
	s0 =	simm.s32 @p2 $0x1  }
0x17: {  	s4 =	simm.s32 $0x1BF5;
	[smem:$0x3FAB] =	sst s0  }
0x18: {  	s0 =	sld [smem:$0x3F8E];
	_ =	swait.ge [sflag:s4], $0x0  }
0x19: {  	s7 =	sld [smem:$0x3F8F]  }
0x1a: {  	s8 =	sadd.s32 $0xFFFFE003, lr  }
0x1b: {  	s9 =	sadd.s32 $0xFFFFFEF7, lr;
	s5 =	simm.s32 $0xFFFFFFFF;
	p2 =	slt.u32 s8, $0xFFFFF086  }
0x1c: {  	p1 =	slt.u32 s9, $0xF7A;
	s5 =	simm.s32 @!p2 $0x0  }
0x1d: {  	s5 =	simm.s32 @p1 $0x1;
	p0 =	seq.s32 s7, s2  }
0x1e: {  	s7 =	smul.u32 @!p0 $0xF7A, s2;
	p2 =	seq.s32 @!p0 s5, $0x0  }
0x1f: {  	s9 =	smul.u32 $0xF7A, s1;
	s8 =	simm.s32 @!p0 $0x1BF5;
	p2 =	por !p2, p0  }
0x20: {  	[sflag:s8] =	ssyncset.s32 @!p0 $0xFFFFF086;
	s6 =	sadd.s32 @!p0 s3, s7;
	s7 =	simm.s32 @!p0 $0x108  }
0x21: {  	s3 =	sadd.s32 s3, s9;
	s6 =	sadd.s32 @!p0 $0x88, s6;
	s7 =	simm.s32 @p2 $0x1082  }
0x22: {  	[simem:s7], [sflag:s8] =	dma.local @!p0 [hbm:s6], $0xF7A  }
0x23: {  	s9 =	sor.u32 $0xD0000000, s2;
	s6 =	simm.s32 $0x108;
	_ =	swait.ge @!p0 [sflag:s8], $0x0  }
0x24: {  	s3 =	sadd.s32 $0x88, s3;
	s6 =	simm.s32 @!p1 $0x1082;
	[sflag:s4] =	ssyncset.s32 $0xFFFFF086  }
0x25: {  	[simem:s6], [sflag:s4] =	dma.local [hbm:s3], $0xF7A  }
0x26: {  	[smem:$0x3F8F] =	sst s1;
	(tag) =	ssettag s2;
	_ =	strace s9  }
0x27: {  	s1 =	sld [smem:$0x3F9F]  }
0x28: {  	s2 =	sld [smem:$0x3FA0]  }
0x29: {  	s4 =	sld [smem:$0x3FA2]  }
0x2a: {  	p0 =	seq.s32 s5, $0x0;
	s5 =	sld [smem:$0x3FA3]  }
0x2b: {  	s6 =	sld [smem:$0x3FA4]  }
0x2c: {  	s7 =	sld [smem:$0x3FA5]  }
0x2d: {  	s3 =	simm.s32 $0x108;
	s8 =	sld [smem:$0x3FA6]  }
0x2e: {  	s3 =	simm.s32 @!p0 $0x1082;
	s9 =	sld [smem:$0x3FA7]  }
0x2f: {  	lr =	sadd.s32 s0, s3;
	s0 =	sld [smem:$0x3F9E]  }
0x30: {  	s3 =	sld [smem:$0x3FA1]  }
0x31: {  	[smem:$0x3FAA] =	sst s10  }
0x32: {  	s10 =	sld [smem:$0x3FA8];
	_ =	sdelay $0x3  }
0x33: {  	p0 =	seq.s32 s10, $0x1;
	s10 =	sld [smem:$0x3FAA];
	_ =	sdelay $0x3  }
0x34: {  	[smem:$0x3FAA] =	sst s10  }
0x35: {  	s10 =	sld [smem:$0x3FA9];
	_ =	sdelay $0x3  }
0x36: {  	p1 =	seq.s32 s10, $0x1;
	s10 =	sld [smem:$0x3FAA];
	_ =	sdelay $0x3  }
0x37: {  	[smem:$0x3FAA] =	sst s10  }
0x38: {  	s10 =	sld [smem:$0x3FAB]  }
0x39: {  	_ = 	snop;
	(pc) =	sbr.ind lr, $3  }
0x3a: {  	_ = 	snop  }
0x3b: {  	_ = 	snop  }
0x3c: {  	p2 =	seq.s32 s10, $0x1;
	s10 =	sld [smem:$0x3FAA]  }
0x3d: {  	_ =	shalt  }
0x3e: {  	_ =	shalt  }
0x3f: {  	_ =	shalt  }
0x40: {  	_ =	shalt  }
0x41: {  	_ =	shalt  }
0x42: {  	_ =	shalt  }
0x43: {  	_ =	shalt  }
0x44: {  	_ =	shalt  }
0x45: {  	_ =	shalt  }
0x46: {  	_ =	shalt  }
0x47: {  	_ =	shalt  }
0x48: {  	_ =	shalt  }
0x49: {  	_ =	shalt  }
0x4a: {  	_ =	shalt  }
0x4b: {  	_ =	shalt  }
0x4c: {  	_ =	shalt  }
0x4d: {  	_ =	shalt  }
0x4e: {  	_ =	shalt  }
0x4f: {  	_ =	shalt  }
0x50: {  	_ =	shalt  }
0x51: {  	_ =	shalt  }
0x52: {  	_ =	shalt  }
0x53: {  	_ =	shalt  }
0x54: {  	_ =	shalt  }
0x55: {  	_ =	shalt  }
0x56: {  	_ =	shalt  }
0x57: {  	_ =	shalt  }
0x58: {  	_ =	shalt  }
0x59: {  	_ =	shalt  }
0x5a: {  	_ =	shalt  }
0x5b: {  	_ =	shalt  }
0x5c: {  	_ =	shalt  }
0x5d: {  	_ =	shalt  }
0x5e: {  	_ =	shalt  }
0x5f: {  	_ =	shalt  }
0x60: {  	_ =	shalt  }
0x61: {  	_ =	shalt  }
0x62: {  	_ =	shalt  }
0x63: {  	_ =	shalt  }
0x64: {  	_ =	shalt  }
0x65: {  	_ =	shalt  }
0x66: {  	_ =	shalt  }
0x67: {  	_ =	shalt  }
0x68: {  	_ =	shalt  }
0x69: {  	_ =	shalt  }
0x6a: {  	_ =	shalt  }
0x6b: {  	_ =	shalt  }
0x6c: {  	_ =	shalt  }
0x6d: {  	_ =	shalt  }
0x6e: {  	_ =	shalt  }
0x6f: {  	_ =	shalt  }
0x70: {  	_ =	shalt  }
0x71: {  	_ =	shalt  }
0x72: {  	_ =	shalt  }
0x73: {  	_ =	shalt  }
0x74: {  	_ =	shalt  }
0x75: {  	_ =	shalt  }
0x76: {  	_ =	shalt  }
0x77: {  	_ =	shalt  }
0x78: {  	_ =	shalt  }
0x79: {  	_ =	shalt  }
0x7a: {  	_ =	shalt  }
0x7b: {  	_ =	shalt  }
0x7c: {  	_ =	shalt  }
0x7d: {  	_ =	shalt  }
0x7e: {  	_ =	shalt  }
0x7f: {  	_ =	shalt  }
0x80: {  	_ =	shalt  }
0x81: {  	_ =	shalt  }
0x82: {  	_ =	shalt  }
0x83: {  	_ =	shalt  }
0x84: {  	_ =	shalt  }
0x85: {  	_ =	shalt  }
0x86: {  	_ =	shalt  }
0x87: {  	_ =	shalt  }
.Lfunc_end0:
.L_simem_size_0:
called_computation.1_lowered:
.L_overlay_start_0:
0x88: {  	s2 =	sld [smem:$0x3FD9]  }
0x89: {  	s3 =	sld [smem:$0x3FFE];
	_ =	sdelay $0x1  }
0x8a: {  	s1 =	srdreg.scid  }
0x8b: {  	s0 =	sand.u32 $0x1, s1  }
0x8c: {  	s14 =	sshll.u32 s0, $0xA;
	s2 =	sadd.s32 s3, s2  }
0x8d: {  	s2 =	sadd.s32 s2, s14  }
0x8e: {  	[smem:$0x3FB6] =	sst s2  }
0x8f: {  	_ = 	snop  }
0x90: {  	s2 =	sld [smem:$0x3FD0];
	_ =	sdelay $0x2  }
0x91: {  	s15 =	simm.s32 $0xA;
	s4 =	simm.s32 $0x10  }
0x92: {  	[smem:s4], [sflag:s15] =	dma.local [hbm:s2], $0x1  }
0x93: {  	_ =	swait.eq [sflag:s15], $0x1  }
0x94: {  	[sflag:s15] =	ssyncset.done $0x0  }
0x95: {  	[sflag:s15] =	ssyncadd.s32 $0xFFFFFFFF  }
0x96: {  	s16 =	sld [smem:$0x10];
	(tm) =	ssettm $0x1  }
0x97: {  	s17 =	sld [smem:$0x3FFB];
	_ =	sdelay $0x3  }
0x98: {  	_ =	strace s17  }
0x99: {  	s3 =	sld [smem:$0x3FFC];
	_ =	sdelay $0x3  }
0x9a: {  	_ =	strace s3  }
0x9b: {  	s3 =	sld [smem:$0x3FFD];
	_ =	sdelay $0x3  }
0x9c: {  	_ =	strace s3  }
0x9d: {  	_ =	strace $0x8FFFFFFF  }
0x9e: {  	s18 =	sld [smem:$0x3FDB];
	_ =	sdelay $0x1  }
0x9f: {  	s19 =	simm.s32 $_scs_section_size  }
0xa0: {  	s5 =	simm.s32 $_size__tile_overlayer_lowered;
	s6 =	simm.s32 $_tile_overlayer_lowered  }
0xa1: {  	s22 =	simm.s32 $0x1BFF;
	s21 =	sshll.u32 s6, $0x1;
	s3 =	sadd.s32 s19, s18  }
0xa2: {  	s7 =	simm.s32 $0x0;
	s20 =	sshll.u32 s5, $0x1;
	s5 =	sadd.s32 s21, s3  }
0xa3: {  	[timem:s7], [sflag:s22] =	dma.local [hbm:s5], s20  }
0xa4: {  	_ =	swait.ge [sflag:s22], s20  }
0xa5: {  	s4 =	ssub.s32 $0x0, s20;
	[sflag:s22] =	ssyncset.done $0x0  }
0xa6: {  	[sflag:s22] =	ssyncadd.s32 s4;
	_ =	sdelay $0x1  }
0xa7: {  	s23 =	simm.s32 $0x1B8B  }
0xa8: {  	_ =	swait.ge [sflag:s23], $0x1  }
0xa9: {  	[sflag:s23] =	ssyncset.done $0x0  }
0xaa: {  	s25 =	simm.s32 $0x1B8E;
	s24 =	sld [smem:$0x3FFE];
	[sflag:s23] =	ssyncadd.s32 $0xFFFFFFFF  }
0xab: {  	s26 =	simm.s32 $execute0_lowered;
	[smem:$0x3FD2] =	sst s25  }
0xac: {  	s5 =	sshll.u32 s26, $0x1;
	_ =	strace $0x80000049;
	[dreg:$0x1] =	wrdreg $0xFFFFFFFF  }
0xad: {  	s28 =	simm.s32 $_size_execute0_lowered;
	s3 =	sadd.s32 s3, s5;
	[dreg:$0x0] =	wrdreg $0x0  }
0xae: {  	s5 =	sshll.u32 s28, $0x1;
	[dreg:$0x2] =	wrdreg s3  }
0xaf: {  	[dreg:$0x3] =	wrdreg s5  }
0xb0: {  	[dreg:$0x4] =	wrdreg $0xC0  }
0xb1: {  	_ =	task [dreg:s7], $0x5FFFF  }
0xb2: {  	[dreg:$0x1] =	wrdreg $0xFFFFFFFF  }
0xb3: {  	[dreg:$0x0] =	wrdreg $0x60  }
0xb4: {  	[dreg:$0x2] =	wrdreg s16  }
0xb5: {  	[dreg:$0x3] =	wrdreg s24  }
0xb6: {  	[dreg:$0x4] =	wrdreg $0x9  }
0xb7: {  	_ =	task.clear_ibuf [dreg:s7], $0x5FFFF;
	_ =	strace $0x90000049  }
0xb8: {  	s29 =	simm.s32 $0x9;
	_ =	strace $0x8000004B  }
0xb9: {  	_ =	swait.ge [sflag:s29], $0x1  }
0xba: {  	[sflag:s29] =	ssyncadd.s32 $0xFFFFFFFF  }
0xbb: {  	_ =	strace $0x9000004B  }
0xbc: {  	_ =	sfence  }
0xbd: {  	s30 =	sld [smem:$0x0];
	_ =	sdelay $0x2  }
0xbe: {  	s31 =	sshll.u32 s1, $0xD;
	s1 =	sshrl.u32 s1, $0x2  }
0xbf: {  	s3 =	sand.u32 $0x4000, s31;
	s1 =	sadd.s32 s1, s30  }
0xc0: {  	s0 =	sor.u32 s3, s0;
	s1 =	sshll.u32 s1, $0x11  }
0xc1: {  	s0 =	sor.u32 s1, s0  }
0xc2: {  	s0 =	sadd.s32 $0x8F2B, s0  }
0xc3: {  	[sflag:s0] =	ssyncadd.remote.s32 $0x1  }
0xc4: {  	_ =	sfence.sel $0xFFFF  }
0xc5: {  	[dreg:$0x0] =	wrdreg $0xFFFFFFFF;
	(pc) =	sbr.abs _section_cstart, $3  }
0xc6: {  	[dreg:$0x1] =	wrdreg $0xFFFFFFFF  }
0xc7: {  	_ =	task.clear_ibuf [dreg:s7], $0x2FFFF;
	_ =	strace $0x9FFFFFFF  }
0xc8: {  	(tm) =	ssettm $0x7FFFFFFF  }
0xc9: {  	_ =	shalt  }
tec
execute0_lowered:
.L_overlay_start_1:
0x0: {  	(tag) =	ssettag $0x1  }
0x1: {  	s1 =	srdreg.scid  }
0x2: {  	s0 =	stileid.u32;
	s2 =	rddreg [dreg:$0x0];
	s6 =	sand.u32 $0x1, s1  }
0x3: {  	s8 =	rddreg [dreg:$0x1];
	s30 =	sshll.u32 s0, $0xA;
	s3 =	sshll.u32 s6, $0x9  }
0x4: {  	s1 =	rddreg [dreg:$0x2];
	s7 =	sor.u32 s3, s30  }
0x5: {  	s10 =	ssub.s32 $0x2, s6;
	s3 =	simm.s32 $0x0;
	s4 =	sshrl.u32 s7, $0x3  }
0x6: {  	s6 =	simm.s32 $0x200;
	[smem:$0x7FF] =	sst s3;
	s4 =	sadd.s32 s4, s8  }
0x7: {  	_ =	strace $0x8000004A;
	s5 =	sadd.s32 $0x24C00, s4;
	s4 =	simm.s32 $0x2  }
0x8: {  	[tilespmem:s3], [sflag:$0x2] =	stream.linear.gather [hbm4b:s5+s3], $0x200, $0x38;
	[tilespmem:$0x6200] =	vst v63  }
0x9: {  	s11 =	sshrl.u32 s10, $0x1;
	s9 =	smul.u32 $0x6, s7;
	_ =	swait.ge [sflag:s4], $0x200  }
0xa: {  	s7 =	simm.s32 $0x1;
	s31 =	ssub.s32 s10, s11;
	[sflag:s4] =	ssyncset.done $0x0  }
0xb: {  	s8 =	sadd.s32 s9, s8;
	s9 =	smax.u32 s31, $0x1;
	[sflag:s4] =	ssyncadd.s32 $0xFFFFFE00  }
0xc: {  	[tilespmem:s6], [sflag:$0x1] =	stream.indirect.gather [hbm4b:s2+s6], $0x30, s3, s6, $0xb8;
	[tilespmem:$0x6200] =	vst v63  }
0xd: {  	p0 =	sne.s32 s9, $0x1;
	_ =	swait.ge [sflag:s7], $0x6000  }
.Ltmp0:
0xe: {  	[sflag:s7] =	ssyncset.done $0x0;
	(pc) =	sbr.rel @!p0 .LBB2_2-.Ltmp0, $4  }
0xf: {  	s8 =	sadd.s32 $0x2C00, s8;
	[sflag:s7] =	ssyncadd.s32 $0xFFFFA000  }
0x10: {  	[hbm4b:s8+s3] =	stream.linear.scatter [tilespmem:s6], [sflag:$0x2], $0x6000, $0x38;
	[tilespmem:$0x6200] =	vst v63  }
0x11: {  	_ =	swait.ge [sflag:s4], $0x6000  }
0x12: {  	s9 =	sadd.s32 $0xFFFFFFFF, s9;
	[sflag:s4] =	ssyncset.done $0x0  }
.LBB2_1:
0x13: {  	p0 =	sne.s32 s9, $0x1;
	s9 =	sadd.s32 $0xFFFFFFFF, s9;
	[sflag:s4] =	ssyncadd.s32 $0xFFFFA000  }
0x14: {  	[tilespmem:s3], [sflag:$0x2] =	stream.linear.gather [hbm4b:s5+s3], $0x200, $0x38;
	[tilespmem:$0x6200] =	vst v63  }
0x15: {  	_ =	swait.ge [sflag:s4], $0x200  }
0x16: {  	[sflag:s4] =	ssyncset.done $0x0  }
0x17: {  	[sflag:s4] =	ssyncadd.s32 $0xFFFFFE00  }
0x18: {  	[tilespmem:s6], [sflag:$0x1] =	stream.indirect.gather [hbm4b:s2+s6], $0x30, s3, s6, $0xb8;
	[tilespmem:$0x6200] =	vst v63  }
0x19: {  	_ =	swait.ge [sflag:s7], $0x6000  }
.Ltmp1:
0x1a: {  	[sflag:s7] =	ssyncset.done $0x0;
	(pc) =	sbr.rel @p0 .LBB2_1-.Ltmp1, $4  }
0x1b: {  	[sflag:s7] =	ssyncadd.s32 $0xFFFFA000  }
0x1c: {  	[hbm4b:s8+s3] =	stream.linear.scatter [tilespmem:s6], [sflag:$0x2], $0x6000, $0x38;
	[tilespmem:$0x6200] =	vst v63  }
0x1d: {  	_ =	swait.ge [sflag:s4], $0x6000  }
0x1e: {  	[sflag:s4] =	ssyncset.done $0x0  }
.LBB2_2:
0x1f: {  	[sflag:s4] =	ssyncadd.s32 $0xFFFFA000  }
0x20: {  	_ =	sfence.sel $0x180000  }
0x21: {  	[bflag:$0x0] =	sbarrier.arrive $0xFFFF  }
0x22: {  	p0 =	sne.s32 s0, $0x0;
	_ =	strace $0x9000004A  }
0x23: {  	s0 =	sadd.s32 @!p0 $0x100000, s1;
	[bflag:$0x2] =	sbarrier.arrive $0xFFFF  }
0x24: {  	[sflag:s0] =	ssyncadd.tile.s32 @!p0 $0x1;
	_ =	shalt  }
.Lfunc_end2:
_tile_overlayer_lowered:
.L_overlay_start_2:
0x25: {  	(tag) =	ssettag $0x2  }
0x26: {  	s0 =	rddreg [dreg:$0x0];
	s2 =	stileid.u32  }
0x27: {  	s1 =	rddreg [dreg:$0x1];
	p0 =	sne.s32 s2, $0x0  }
0x28: {  	s3 =	rddreg [dreg:$0x2];
	[bflag:$0x3] =	sbarrier.arrive $0xFFFF;
	s2 =	simm.s32 @!p0 $0x1C02  }
0x29: {  	[timem:s3], [sflag:s2] =	dma.local @!p0 [hbm:s0], s1  }
0x2a: {  	s0 =	simm.s32 @!p0 $0x2  }
0x2b: {  	_ =	swait.ge @!p0 [sflag:s0], s1  }
0x2c: {  	s1 =	ssub.s32 @!p0 $0x0, s1;
	[sflag:s0] =	ssyncset.done @!p0 $0x0  }
0x2d: {  	[sflag:s0] =	ssyncadd.s32 @!p0 s1  }
0x2e: {  	[bflag:$0x3] =	sbarrier.arrive $0xFFFF  }
0x2f: {  	_ =	shalt  }

// kernel: kernel.17.cloned.1.call-start
scs
__scs_entry_jumppad:
0x0: {  	(pc) =	sbr.rel $0x88, $3  }
0x1: {  	(tag) =	ssettag $0x0;
	lr =	simm.s32 $0x1  }
0x2: {  	[smem:$0x3F8F] =	sst lr;
	_ =	strace $0xD0000000  }
0x3: {  	_ = 	snop  }
0x4: {  	_ = 	snop  }
0x5: {  	_ = 	snop  }
0x6: {  	_ = 	snop  }
0x7: {  	_ = 	snop  }
__scs_overlays_trampoline_lowered:
0x8: {  	[smem:$0x3F9E] =	sst s0  }
0x9: {  	[smem:$0x3F9F] =	sst s1  }
0xa: {  	[smem:$0x3FA0] =	sst s2  }
0xb: {  	[smem:$0x3FA1] =	sst s3  }
0xc: {  	[smem:$0x3FA2] =	sst s4  }
0xd: {  	[smem:$0x3FA3] =	sst s5  }
0xe: {  	[smem:$0x3FA4] =	sst s6  }
0xf: {  	[smem:$0x3FA5] =	sst s7  }
0x10: {  	[smem:$0x3FA6] =	sst s8  }
0x11: {  	[smem:$0x3FA7] =	sst s9;
	s0 =	simm.s32 @!p0 $0x0  }
0x12: {  	s1 =	sld [smem:$0x3F8D];
	s0 =	simm.s32 @p0 $0x1  }
0x13: {  	[smem:$0x3FA8] =	sst s0;
	s0 =	simm.s32 @!p1 $0x0  }
0x14: {  	s2 =	sld [smem:$0x3F8C];
	s0 =	simm.s32 @p1 $0x1  }
0x15: {  	[smem:$0x3FA9] =	sst s0;
	s0 =	simm.s32 @!p2 $0x0  }
0x16: {  	s3 =	sld [smem:$0x3FDB];
	s0 =	simm.s32 @p2 $0x1  }
0x17: {  	s4 =	simm.s32 $0x1BF5;
	[smem:$0x3FAB] =	sst s0  }
0x18: {  	s0 =	sld [smem:$0x3F8E];
	_ =	swait.ge [sflag:s4], $0x0  }
0x19: {  	s7 =	sld [smem:$0x3F8F]  }
0x1a: {  	s8 =	sadd.s32 $0xFFFFE003, lr  }
0x1b: {  	s9 =	sadd.s32 $0xFFFFFEF7, lr;
	s5 =	simm.s32 $0xFFFFFFFF;
	p2 =	slt.u32 s8, $0xFFFFF086  }
0x1c: {  	p1 =	slt.u32 s9, $0xF7A;
	s5 =	simm.s32 @!p2 $0x0  }
0x1d: {  	s5 =	simm.s32 @p1 $0x1;
	p0 =	seq.s32 s7, s2  }
0x1e: {  	s7 =	smul.u32 @!p0 $0xF7A, s2;
	p2 =	seq.s32 @!p0 s5, $0x0  }
0x1f: {  	s9 =	smul.u32 $0xF7A, s1;
	s8 =	simm.s32 @!p0 $0x1BF5;
	p2 =	por !p2, p0  }
0x20: {  	[sflag:s8] =	ssyncset.s32 @!p0 $0xFFFFF086;
	s6 =	sadd.s32 @!p0 s3, s7;
	s7 =	simm.s32 @!p0 $0x108  }
0x21: {  	s3 =	sadd.s32 s3, s9;
	s6 =	sadd.s32 @!p0 $0x88, s6;
	s7 =	simm.s32 @p2 $0x1082  }
0x22: {  	[simem:s7], [sflag:s8] =	dma.local @!p0 [hbm:s6], $0xF7A  }
0x23: {  	s9 =	sor.u32 $0xD0000000, s2;
	s6 =	simm.s32 $0x108;
	_ =	swait.ge @!p0 [sflag:s8], $0x0  }
0x24: {  	s3 =	sadd.s32 $0x88, s3;
	s6 =	simm.s32 @!p1 $0x1082;
	[sflag:s4] =	ssyncset.s32 $0xFFFFF086  }
0x25: {  	[simem:s6], [sflag:s4] =	dma.local [hbm:s3], $0xF7A  }
0x26: {  	[smem:$0x3F8F] =	sst s1;
	(tag) =	ssettag s2;
	_ =	strace s9  }
0x27: {  	s1 =	sld [smem:$0x3F9F]  }
0x28: {  	s2 =	sld [smem:$0x3FA0]  }
0x29: {  	s4 =	sld [smem:$0x3FA2]  }
0x2a: {  	p0 =	seq.s32 s5, $0x0;
	s5 =	sld [smem:$0x3FA3]  }
0x2b: {  	s6 =	sld [smem:$0x3FA4]  }
0x2c: {  	s7 =	sld [smem:$0x3FA5]  }
0x2d: {  	s3 =	simm.s32 $0x108;
	s8 =	sld [smem:$0x3FA6]  }
0x2e: {  	s3 =	simm.s32 @!p0 $0x1082;
	s9 =	sld [smem:$0x3FA7]  }
0x2f: {  	lr =	sadd.s32 s0, s3;
	s0 =	sld [smem:$0x3F9E]  }
0x30: {  	s3 =	sld [smem:$0x3FA1]  }
0x31: {  	[smem:$0x3FAA] =	sst s10  }
0x32: {  	s10 =	sld [smem:$0x3FA8];
	_ =	sdelay $0x3  }
0x33: {  	p0 =	seq.s32 s10, $0x1;
	s10 =	sld [smem:$0x3FAA];
	_ =	sdelay $0x3  }
0x34: {  	[smem:$0x3FAA] =	sst s10  }
0x35: {  	s10 =	sld [smem:$0x3FA9];
	_ =	sdelay $0x3  }
0x36: {  	p1 =	seq.s32 s10, $0x1;
	s10 =	sld [smem:$0x3FAA];
	_ =	sdelay $0x3  }
0x37: {  	[smem:$0x3FAA] =	sst s10  }
0x38: {  	s10 =	sld [smem:$0x3FAB]  }
0x39: {  	_ = 	snop;
	(pc) =	sbr.ind lr, $3  }
0x3a: {  	_ = 	snop  }
0x3b: {  	_ = 	snop  }
0x3c: {  	p2 =	seq.s32 s10, $0x1;
	s10 =	sld [smem:$0x3FAA]  }
0x3d: {  	_ =	shalt  }
0x3e: {  	_ =	shalt  }
0x3f: {  	_ =	shalt  }
0x40: {  	_ =	shalt  }
0x41: {  	_ =	shalt  }
0x42: {  	_ =	shalt  }
0x43: {  	_ =	shalt  }
0x44: {  	_ =	shalt  }
0x45: {  	_ =	shalt  }
0x46: {  	_ =	shalt  }
0x47: {  	_ =	shalt  }
0x48: {  	_ =	shalt  }
0x49: {  	_ =	shalt  }
0x4a: {  	_ =	shalt  }
0x4b: {  	_ =	shalt  }
0x4c: {  	_ =	shalt  }
0x4d: {  	_ =	shalt  }
0x4e: {  	_ =	shalt  }
0x4f: {  	_ =	shalt  }
0x50: {  	_ =	shalt  }
0x51: {  	_ =	shalt  }
0x52: {  	_ =	shalt  }
0x53: {  	_ =	shalt  }
0x54: {  	_ =	shalt  }
0x55: {  	_ =	shalt  }
0x56: {  	_ =	shalt  }
0x57: {  	_ =	shalt  }
0x58: {  	_ =	shalt  }
0x59: {  	_ =	shalt  }
0x5a: {  	_ =	shalt  }
0x5b: {  	_ =	shalt  }
0x5c: {  	_ =	shalt  }
0x5d: {  	_ =	shalt  }
0x5e: {  	_ =	shalt  }
0x5f: {  	_ =	shalt  }
0x60: {  	_ =	shalt  }
0x61: {  	_ =	shalt  }
0x62: {  	_ =	shalt  }
0x63: {  	_ =	shalt  }
0x64: {  	_ =	shalt  }
0x65: {  	_ =	shalt  }
0x66: {  	_ =	shalt  }
0x67: {  	_ =	shalt  }
0x68: {  	_ =	shalt  }
0x69: {  	_ =	shalt  }
0x6a: {  	_ =	shalt  }
0x6b: {  	_ =	shalt  }
0x6c: {  	_ =	shalt  }
0x6d: {  	_ =	shalt  }
0x6e: {  	_ =	shalt  }
0x6f: {  	_ =	shalt  }
0x70: {  	_ =	shalt  }
0x71: {  	_ =	shalt  }
0x72: {  	_ =	shalt  }
0x73: {  	_ =	shalt  }
0x74: {  	_ =	shalt  }
0x75: {  	_ =	shalt  }
0x76: {  	_ =	shalt  }
0x77: {  	_ =	shalt  }
0x78: {  	_ =	shalt  }
0x79: {  	_ =	shalt  }
0x7a: {  	_ =	shalt  }
0x7b: {  	_ =	shalt  }
0x7c: {  	_ =	shalt  }
0x7d: {  	_ =	shalt  }
0x7e: {  	_ =	shalt  }
0x7f: {  	_ =	shalt  }
0x80: {  	_ =	shalt  }
0x81: {  	_ =	shalt  }
0x82: {  	_ =	shalt  }
0x83: {  	_ =	shalt  }
0x84: {  	_ =	shalt  }
0x85: {  	_ =	shalt  }
0x86: {  	_ =	shalt  }
0x87: {  	_ =	shalt  }
.Lfunc_end0:
.L_simem_size_0:
called_computation.2_lowered:
.L_overlay_start_0:
0x88: {  	s2 =	sld [smem:$0x3FD9]  }
0x89: {  	s3 =	sld [smem:$0x3FFE];
	_ =	sdelay $0x1  }
0x8a: {  	s1 =	srdreg.scid  }
0x8b: {  	s0 =	sand.u32 $0x1, s1  }
0x8c: {  	s14 =	sshll.u32 s0, $0xA;
	s2 =	sadd.s32 s3, s2  }
0x8d: {  	s2 =	sadd.s32 s2, s14  }
0x8e: {  	[smem:$0x3FB6] =	sst s2  }
0x8f: {  	_ = 	snop  }
0x90: {  	s2 =	sld [smem:$0x3FD0];
	_ =	sdelay $0x2  }
0x91: {  	s15 =	simm.s32 $0xA;
	s4 =	simm.s32 $0x10  }
0x92: {  	[smem:s4], [sflag:s15] =	dma.local [hbm:s2], $0x1  }
0x93: {  	_ =	swait.eq [sflag:s15], $0x1  }
0x94: {  	[sflag:s15] =	ssyncset.done $0x0  }
0x95: {  	[sflag:s15] =	ssyncadd.s32 $0xFFFFFFFF  }
0x96: {  	s16 =	sld [smem:$0x10];
	(tm) =	ssettm $0x1  }
0x97: {  	s17 =	sld [smem:$0x3FFB];
	_ =	sdelay $0x3  }
0x98: {  	_ =	strace s17  }
0x99: {  	s3 =	sld [smem:$0x3FFC];
	_ =	sdelay $0x3  }
0x9a: {  	_ =	strace s3  }
0x9b: {  	s3 =	sld [smem:$0x3FFD];
	_ =	sdelay $0x3  }
0x9c: {  	_ =	strace s3  }
0x9d: {  	_ =	strace $0x8FFFFFFF  }
0x9e: {  	s18 =	sld [smem:$0x3FDB];
	_ =	sdelay $0x1  }
0x9f: {  	s19 =	simm.s32 $_scs_section_size  }
0xa0: {  	s5 =	simm.s32 $_size__tile_overlayer_lowered;
	s6 =	simm.s32 $_tile_overlayer_lowered  }
0xa1: {  	s22 =	simm.s32 $0x1BFF;
	s21 =	sshll.u32 s6, $0x1;
	s3 =	sadd.s32 s19, s18  }
0xa2: {  	s7 =	simm.s32 $0x0;
	s20 =	sshll.u32 s5, $0x1;
	s5 =	sadd.s32 s21, s3  }
0xa3: {  	[timem:s7], [sflag:s22] =	dma.local [hbm:s5], s20  }
0xa4: {  	_ =	swait.ge [sflag:s22], s20  }
0xa5: {  	s4 =	ssub.s32 $0x0, s20;
	[sflag:s22] =	ssyncset.done $0x0  }
0xa6: {  	[sflag:s22] =	ssyncadd.s32 s4;
	_ =	sdelay $0x1  }
0xa7: {  	s23 =	simm.s32 $0x1B8B  }
0xa8: {  	_ =	swait.ge [sflag:s23], $0x1  }
0xa9: {  	[sflag:s23] =	ssyncset.done $0x0  }
0xaa: {  	s25 =	simm.s32 $0x1B8E;
	s24 =	sld [smem:$0x3FFE];
	[sflag:s23] =	ssyncadd.s32 $0xFFFFFFFF  }
0xab: {  	s26 =	simm.s32 $execute0_lowered;
	[smem:$0x3FD2] =	sst s25  }
0xac: {  	s5 =	sshll.u32 s26, $0x1;
	_ =	strace $0x8000004C;
	[dreg:$0x1] =	wrdreg $0xFFFFFFFF  }
0xad: {  	s28 =	simm.s32 $_size_execute0_lowered;
	s3 =	sadd.s32 s3, s5;
	[dreg:$0x0] =	wrdreg $0x0  }
0xae: {  	s5 =	sshll.u32 s28, $0x1;
	[dreg:$0x2] =	wrdreg s3  }
0xaf: {  	[dreg:$0x3] =	wrdreg s5  }
0xb0: {  	[dreg:$0x4] =	wrdreg $0xC0  }
0xb1: {  	_ =	task [dreg:s7], $0x5FFFF  }
0xb2: {  	[dreg:$0x1] =	wrdreg $0xFFFFFFFF  }
0xb3: {  	[dreg:$0x0] =	wrdreg $0x60  }
0xb4: {  	[dreg:$0x2] =	wrdreg s16  }
0xb5: {  	[dreg:$0x3] =	wrdreg s24  }
0xb6: {  	[dreg:$0x4] =	wrdreg $0x9  }
0xb7: {  	_ =	task.clear_ibuf [dreg:s7], $0x5FFFF;
	_ =	strace $0x9000004C  }
0xb8: {  	s29 =	simm.s32 $0x9;
	_ =	strace $0x8000004E  }
0xb9: {  	_ =	swait.ge [sflag:s29], $0x1  }
0xba: {  	[sflag:s29] =	ssyncadd.s32 $0xFFFFFFFF  }
0xbb: {  	_ =	strace $0x9000004E  }
0xbc: {  	_ =	sfence  }
0xbd: {  	s30 =	sld [smem:$0x0];
	_ =	sdelay $0x2  }
0xbe: {  	s31 =	sshll.u32 s1, $0xD;
	s1 =	sshrl.u32 s1, $0x2  }
0xbf: {  	s3 =	sand.u32 $0x4000, s31;
	s1 =	sadd.s32 s1, s30  }
0xc0: {  	s0 =	sor.u32 s3, s0;
	s1 =	sshll.u32 s1, $0x11  }
0xc1: {  	s0 =	sor.u32 s1, s0  }
0xc2: {  	s0 =	sadd.s32 $0x8F2B, s0  }
0xc3: {  	[sflag:s0] =	ssyncadd.remote.s32 $0x1  }
0xc4: {  	_ =	sfence.sel $0xFFFF  }
0xc5: {  	[dreg:$0x0] =	wrdreg $0xFFFFFFFF;
	(pc) =	sbr.abs _section_cstart, $3  }
0xc6: {  	[dreg:$0x1] =	wrdreg $0xFFFFFFFF  }
0xc7: {  	_ =	task.clear_ibuf [dreg:s7], $0x2FFFF;
	_ =	strace $0x9FFFFFFF  }
0xc8: {  	(tm) =	ssettm $0x7FFFFFFF  }
0xc9: {  	_ =	shalt  }
tec
execute0_lowered:
.L_overlay_start_1:
0x0: {  	(tag) =	ssettag $0x1  }
0x1: {  	s1 =	srdreg.scid  }
0x2: {  	s0 =	stileid.u32;
	s2 =	rddreg [dreg:$0x0];
	s6 =	sand.u32 $0x1, s1  }
0x3: {  	s8 =	rddreg [dreg:$0x1];
	s30 =	sshll.u32 s0, $0xA;
	s3 =	sshll.u32 s6, $0x9  }
0x4: {  	s1 =	rddreg [dreg:$0x2];
	s7 =	sor.u32 s3, s30  }
0x5: {  	s10 =	ssub.s32 $0x2, s6;
	s3 =	simm.s32 $0x0;
	s4 =	sshrl.u32 s7, $0x3  }
0x6: {  	s6 =	simm.s32 $0x200;
	[smem:$0x7FF] =	sst s3;
	s4 =	sadd.s32 s4, s8  }
0x7: {  	_ =	strace $0x8000004D;
	s5 =	sadd.s32 $0x2C00, s4;
	s4 =	simm.s32 $0x2  }
0x8: {  	[tilespmem:s3], [sflag:$0x2] =	stream.linear.gather [hbm4b:s5+s3], $0x200, $0x38;
	[tilespmem:$0x12200] =	vst v63  }
0x9: {  	s11 =	sshrl.u32 s10, $0x1;
	s9 =	smul.u32 $0x12, s7;
	_ =	swait.ge [sflag:s4], $0x200  }
0xa: {  	s7 =	simm.s32 $0x1;
	s31 =	ssub.s32 s10, s11;
	[sflag:s4] =	ssyncset.done $0x0  }
0xb: {  	s8 =	sadd.s32 s9, s8;
	s9 =	smax.u32 s31, $0x1;
	[sflag:s4] =	ssyncadd.s32 $0xFFFFFE00  }
0xc: {  	[tilespmem:s6], [sflag:$0x1] =	stream.indirect.gather [hbm4b:s2+s6], $0x90, s3, s6, $0xb8;
	[tilespmem:$0x12200] =	vst v63  }
0xd: {  	p0 =	sne.s32 s9, $0x1;
	_ =	swait.ge [sflag:s7], $0x12000  }
.Ltmp0:
0xe: {  	[sflag:s7] =	ssyncset.done $0x0;
	(pc) =	sbr.rel @!p0 .LBB2_2-.Ltmp0, $4  }
0xf: {  	s8 =	sadd.s32 $0x3400, s8;
	[sflag:s7] =	ssyncadd.s32 $0xFFFEE000  }
0x10: {  	[hbm4b:s8+s3] =	stream.linear.scatter [tilespmem:s6], [sflag:$0x2], $0x12000, $0x38;
	[tilespmem:$0x12200] =	vst v63  }
0x11: {  	_ =	swait.ge [sflag:s4], $0x12000  }
0x12: {  	s9 =	sadd.s32 $0xFFFFFFFF, s9;
	[sflag:s4] =	ssyncset.done $0x0  }
.LBB2_1:
0x13: {  	p0 =	sne.s32 s9, $0x1;
	s9 =	sadd.s32 $0xFFFFFFFF, s9;
	[sflag:s4] =	ssyncadd.s32 $0xFFFEE000  }
0x14: {  	[tilespmem:s3], [sflag:$0x2] =	stream.linear.gather [hbm4b:s5+s3], $0x200, $0x38;
	[tilespmem:$0x12200] =	vst v63  }
0x15: {  	_ =	swait.ge [sflag:s4], $0x200  }
0x16: {  	[sflag:s4] =	ssyncset.done $0x0  }
0x17: {  	[sflag:s4] =	ssyncadd.s32 $0xFFFFFE00  }
0x18: {  	[tilespmem:s6], [sflag:$0x1] =	stream.indirect.gather [hbm4b:s2+s6], $0x90, s3, s6, $0xb8;
	[tilespmem:$0x12200] =	vst v63  }
0x19: {  	_ =	swait.ge [sflag:s7], $0x12000  }
.Ltmp1:
0x1a: {  	[sflag:s7] =	ssyncset.done $0x0;
	(pc) =	sbr.rel @p0 .LBB2_1-.Ltmp1, $4  }
0x1b: {  	[sflag:s7] =	ssyncadd.s32 $0xFFFEE000  }
0x1c: {  	[hbm4b:s8+s3] =	stream.linear.scatter [tilespmem:s6], [sflag:$0x2], $0x12000, $0x38;
	[tilespmem:$0x12200] =	vst v63  }
0x1d: {  	_ =	swait.ge [sflag:s4], $0x12000  }
0x1e: {  	[sflag:s4] =	ssyncset.done $0x0  }
.LBB2_2:
0x1f: {  	[sflag:s4] =	ssyncadd.s32 $0xFFFEE000  }
0x20: {  	_ =	sfence.sel $0x180000  }
0x21: {  	[bflag:$0x0] =	sbarrier.arrive $0xFFFF  }
0x22: {  	p0 =	sne.s32 s0, $0x0;
	_ =	strace $0x9000004D  }
0x23: {  	s0 =	sadd.s32 @!p0 $0x100000, s1;
	[bflag:$0x2] =	sbarrier.arrive $0xFFFF  }
0x24: {  	[sflag:s0] =	ssyncadd.tile.s32 @!p0 $0x1;
	_ =	shalt  }
.Lfunc_end2:
_tile_overlayer_lowered:
.L_overlay_start_2:
0x25: {  	(tag) =	ssettag $0x2  }
0x26: {  	s0 =	rddreg [dreg:$0x0];
	s2 =	stileid.u32  }
0x27: {  	s1 =	rddreg [dreg:$0x1];
	p0 =	sne.s32 s2, $0x0  }
0x28: {  	s3 =	rddreg [dreg:$0x2];
	[bflag:$0x3] =	sbarrier.arrive $0xFFFF;
	s2 =	simm.s32 @!p0 $0x1C02  }
0x29: {  	[timem:s3], [sflag:s2] =	dma.local @!p0 [hbm:s0], s1  }
0x2a: {  	s0 =	simm.s32 @!p0 $0x2  }
0x2b: {  	_ =	swait.ge @!p0 [sflag:s0], s1  }
0x2c: {  	s1 =	ssub.s32 @!p0 $0x0, s1;
	[sflag:s0] =	ssyncset.done @!p0 $0x0  }
0x2d: {  	[sflag:s0] =	ssyncadd.s32 @!p0 s1  }
0x2e: {  	[bflag:$0x3] =	sbarrier.arrive $0xFFFF  }
0x2f: {  	_ =	shalt  }

</sc_bundles>
